<compile_context>
chip_gen: v7x
topology: tpu7x:2x2x1
jax: 0.10.2.dev20260603
libtpu: 0.0.44.dev20260713+nightly
codegen_flags: <defaults>
</compile_context>

<pallas_src>
import functools

import jax
import jax.numpy as jnp
from jax import lax
from jax.experimental import pallas as pl
from jax.experimental.pallas import tpu as pltpu
from jax.experimental.pallas import tpu_sc as plsc

_HB = 16


def _seed_body(t_ref, emb_ref, out_ref):
    del t_ref
    out_ref[...] = jax.lax.broadcast_in_dim(emb_ref[0], out_ref.shape, (1, 2))


def _make_sc_kernel(B, C, H, W):
    info = plsc.get_sparse_core_info()
    NC, NS = info.num_cores, info.num_subcores
    NW = NC * NS
    CW = C // NW
    NK = H // _HB
    mesh = plsc.VectorSubcoreMesh(core_axis_name="c", subcore_axis_name="s")

    @functools.partial(
        pl.kernel,
        mesh=mesh,
        out_type=jax.ShapeDtypeStruct((B, C, H, W), jnp.float32),
        compiler_params=pltpu.CompilerParams(use_tc_tiling_on_sc=True),
        scratch_types=[
            pltpu.VMEM((1, CW, _HB, W), jnp.float32),
            pltpu.SemaphoreType.DMA,
        ],
    )
    def k(seed_hbm, out_hbm, tile_v, sem):
        wid = lax.axis_index("s") * NC + lax.axis_index("c")
        c0 = wid * CW
        pltpu.sync_copy(seed_hbm.at[pl.ds(0, 1), pl.ds(c0, CW)], tile_v)
        copies = [
            pltpu.make_async_copy(
                tile_v,
                out_hbm.at[
                    pl.ds(b, 1), pl.ds(c0, CW), pl.ds(kk * _HB, _HB), pl.ds(0, W)
                ],
                sem,
            )
            for b in range(B)
            for kk in range(NK)
        ]
        for cp in copies:
            cp.start()
        for cp in copies:
            cp.wait()

    return k


def kernel(x, t, embeddings):
    B, _, H, W = x.shape
    C = embeddings.shape[1]
    t_arr = jnp.asarray(t, jnp.int32).reshape((1,))
    emb3 = embeddings.reshape(embeddings.shape[0], C, 1)
    grid_spec = pltpu.PrefetchScalarGridSpec(
        num_scalar_prefetch=1,
        grid=(1,),
        in_specs=[pl.BlockSpec((1, C, 1), lambda i, tr: (tr[0], 0, 0))],
        out_specs=pl.BlockSpec((1, C, _HB, W), lambda i, tr: (0, 0, 0, 0)),
    )
    seed = pl.pallas_call(
        _seed_body,
        grid_spec=grid_spec,
        out_shape=jax.ShapeDtypeStruct((1, C, _HB, W), jnp.float32),
    )(t_arr, emb3)
    sc_k = _make_sc_kernel(B, C, H, W)
    return sc_k(seed)

# --- scband reference (transcript-rebuilt; emitter-appended) ---
"""Pipeline reference for scband-sine-embedding-31877247271265 (READ-ONLY COPY).

The authoritative reference and input builder live on the scoring server;
editing this copy changes nothing except your own understanding.
"""

import jax, jax.numpy as jnp
import numpy as np

TIME_STEPS = 1000
EMBED_DIM = 256


def _build_embeddings():
    position = np.arange(TIME_STEPS, dtype=np.float32)[:, None]
    div = np.exp(np.arange(0, EMBED_DIM, 2, dtype=np.float32) * -(np.log(10000.0) / EMBED_DIM))
    emb = np.zeros((TIME_STEPS, EMBED_DIM), dtype=np.float32)
    emb[:, 0::2] = np.sin(position * div)
    emb[:, 1::2] = np.cos(position * div)
    return jnp.asarray(emb)


def setup_inputs(seed: int = 0) -> dict:
    key = jax.random.key(seed)
    x = jax.random.normal(key, (2, 96, 224, 224), dtype=jnp.float32)
    t = 500
    embeddings = _build_embeddings()
    return {"x": x, "t": t, "embeddings": embeddings}


def reference(x, t, embeddings):
    # embeds = self.embeddings[t]
    embeds = embeddings[t]
    # embeds.view(1, embedding_dim, 1, 1)
    embeds = embeds.reshape(1, EMBED_DIM, 1, 1)
    # expand(x.shape[0], embedding_dim, x.shape[2], x.shape[3])
    embeds = jnp.broadcast_to(embeds, (x.shape[0], EMBED_DIM, x.shape[2], x.shape[3]))
    return embeds

if __name__ == "__main__":
    import jax
    _d = setup_inputs()
    print(jax.jit(kernel)(*tuple(_d.values())))

</pallas_src>

<mosaic_0001>
#map = affine_map<(d0, d1) -> (0, 0, 0, 0)>
module attributes {stable_mosaic.version = 14 : i64} {
  func.func @k(%arg0: i32, %arg1: i32, %arg2: memref<1x256x16x224xf32, #tpu.memory_space<hbm>>, %arg3: memref<2x256x224x224xf32, #tpu.memory_space<hbm>>, %arg4: memref<1x8x16x224xf32, #tpu.memory_space<vmem>>, %arg5: memref<!tpu.dma_semaphore, #tpu.memory_space<semaphore_mem>>) attributes {dimension_semantics = [#tpu.dimension_semantics<core_parallel>, #tpu.dimension_semantics<subcore_parallel>], iteration_bounds = array<i64: 2, 16>, scalar_prefetch = 0 : i64, scratch_operands = 2 : i64, tpu.core_type = #tpu.core_type<sc_vector_subcore>, window_params = [{transform_indices = #map}, {transform_indices = #map}]} {
    %mul3A = arith.constant 2 : i32
    %mul3A_0 = arith.muli %arg1, %mul3A : i32
    %add3A = arith.addi %mul3A_0, %arg0 : i32
    %mul3A_1 = arith.constant 8 : i32
    %mul3A_2 = arith.muli %add3A, %mul3A_1 : i32
    "tpu.region"() ({
      %run_scoped3A = tpu.sem_alloc : memref<!tpu.dma_semaphore, #tpu.memory_space<semaphore_mem>>
      %dma_start3A_449 = arith.constant 0 : i32
      %dma_start3A_450 = arith.constant 0 : i32
      %dma_start3A_451 = arith.constant 0 : i32
      %dma_start3A_452 = tpu.memref_slice %arg2[%dma_start3A_449, %mul3A_2, %dma_start3A_450, %dma_start3A_451] : memref<1x256x16x224xf32, #tpu.memory_space<hbm>> -> memref<1x8x16x224xf32, #tpu.memory_space<hbm>>
      %dma_start3A_453 = arith.constant 0 : i32
      %dma_start3A_454 = arith.constant 0 : i32
      %dma_start3A_455 = arith.constant 0 : i32
      %dma_start3A_456 = tpu.memref_slice %arg2[%dma_start3A_453, %mul3A_2, %dma_start3A_454, %dma_start3A_455] : memref<1x256x16x224xf32, #tpu.memory_space<hbm>> -> memref<1x8x16x224xf32, #tpu.memory_space<hbm>>
      tpu.enqueue_dma source(%dma_start3A_456 : memref<1x8x16x224xf32, #tpu.memory_space<hbm>>) target(%arg4 : memref<1x8x16x224xf32, #tpu.memory_space<vmem>>) target_semaphore(%run_scoped3A : memref<!tpu.dma_semaphore, #tpu.memory_space<semaphore_mem>>)
      %dma_wait3A_457 = arith.constant 0 : i32
      %dma_wait3A_458 = arith.constant 0 : i32
      %dma_wait3A_459 = arith.constant 0 : i32
      %dma_wait3A_460 = tpu.memref_slice %arg2[%dma_wait3A_457, %mul3A_2, %dma_wait3A_458, %dma_wait3A_459] : memref<1x256x16x224xf32, #tpu.memory_space<hbm>> -> memref<1x8x16x224xf32, #tpu.memory_space<hbm>>
      %dma_wait3A_461 = arith.constant 0 : i32
      %dma_wait3A_462 = arith.constant 0 : i32
      %dma_wait3A_463 = arith.constant 0 : i32
      %dma_wait3A_464 = tpu.memref_slice %arg2[%dma_wait3A_461, %mul3A_2, %dma_wait3A_462, %dma_wait3A_463] : memref<1x256x16x224xf32, #tpu.memory_space<hbm>> -> memref<1x8x16x224xf32, #tpu.memory_space<hbm>>
      tpu.wait_dma2 semaphore(%run_scoped3A : memref<!tpu.dma_semaphore, #tpu.memory_space<semaphore_mem>>) src(%dma_wait3A_464 : memref<1x8x16x224xf32, #tpu.memory_space<hbm>>) dst(%arg4 : memref<1x8x16x224xf32, #tpu.memory_space<vmem>>)
      tpu.yield
    }) : () -> ()
    %dma_start3A = arith.constant 0 : i32
    %dma_start3A_3 = arith.constant 0 : i32
    %dma_start3A_4 = arith.constant 0 : i32
    %dma_start3A_5 = tpu.memref_slice %arg3[%dma_start3A, %mul3A_2, %dma_start3A_3, %dma_start3A_4] : memref<2x256x224x224xf32, #tpu.memory_space<hbm>> -> memref<1x8x16x224xf32, #tpu.memory_space<hbm>>
    %dma_start3A_6 = arith.constant 0 : i32
    %dma_start3A_7 = arith.constant 0 : i32
    %dma_start3A_8 = arith.constant 0 : i32
    %dma_start3A_9 = tpu.memref_slice %arg3[%dma_start3A_6, %mul3A_2, %dma_start3A_7, %dma_start3A_8] : memref<2x256x224x224xf32, #tpu.memory_space<hbm>> -> memref<1x8x16x224xf32, #tpu.memory_space<hbm>>
    tpu.enqueue_dma source(%arg4 : memref<1x8x16x224xf32, #tpu.memory_space<vmem>>) target(%dma_start3A_9 : memref<1x8x16x224xf32, #tpu.memory_space<hbm>>) target_semaphore(%arg5 : memref<!tpu.dma_semaphore, #tpu.memory_space<semaphore_mem>>)
    %dma_start3A_10 = arith.constant 0 : i32
    %dma_start3A_11 = arith.constant 16 : i32
    %dma_start3A_12 = arith.constant 0 : i32
    %dma_start3A_13 = tpu.memref_slice %arg3[%dma_start3A_10, %mul3A_2, %dma_start3A_11, %dma_start3A_12] : memref<2x256x224x224xf32, #tpu.memory_space<hbm>> -> memref<1x8x16x224xf32, #tpu.memory_space<hbm>>
    %dma_start3A_14 = arith.constant 0 : i32
    %dma_start3A_15 = arith.constant 16 : i32
    %dma_start3A_16 = arith.constant 0 : i32
    %dma_start3A_17 = tpu.memref_slice %arg3[%dma_start3A_14, %mul3A_2, %dma_start3A_15, %dma_start3A_16] : memref<2x256x224x224xf32, #tpu.memory_space<hbm>> -> memref<1x8x16x224xf32, #tpu.memory_space<hbm>>
    tpu.enqueue_dma source(%arg4 : memref<1x8x16x224xf32, #tpu.memory_space<vmem>>) target(%dma_start3A_17 : memref<1x8x16x224xf32, #tpu.memory_space<hbm>>) target_semaphore(%arg5 : memref<!tpu.dma_semaphore, #tpu.memory_space<semaphore_mem>>)
    %dma_start3A_18 = arith.constant 0 : i32
    %dma_start3A_19 = arith.constant 32 : i32
    %dma_start3A_20 = arith.constant 0 : i32
    %dma_start3A_21 = tpu.memref_slice %arg3[%dma_start3A_18, %mul3A_2, %dma_start3A_19, %dma_start3A_20] : memref<2x256x224x224xf32, #tpu.memory_space<hbm>> -> memref<1x8x16x224xf32, #tpu.memory_space<hbm>>
    %dma_start3A_22 = arith.constant 0 : i32
    %dma_start3A_23 = arith.constant 32 : i32
    %dma_start3A_24 = arith.constant 0 : i32
    %dma_start3A_25 = tpu.memref_slice %arg3[%dma_start3A_22, %mul3A_2, %dma_start3A_23, %dma_start3A_24] : memref<2x256x224x224xf32, #tpu.memory_space<hbm>> -> memref<1x8x16x224xf32, #tpu.memory_space<hbm>>
    tpu.enqueue_dma source(%arg4 : memref<1x8x16x224xf32, #tpu.memory_space<vmem>>) target(%dma_start3A_25 : memref<1x8x16x224xf32, #tpu.memory_space<hbm>>) target_semaphore(%arg5 : memref<!tpu.dma_semaphore, #tpu.memory_space<semaphore_mem>>)
    %dma_start3A_26 = arith.constant 0 : i32
    %dma_start3A_27 = arith.constant 48 : i32
    %dma_start3A_28 = arith.constant 0 : i32
    %dma_start3A_29 = tpu.memref_slice %arg3[%dma_start3A_26, %mul3A_2, %dma_start3A_27, %dma_start3A_28] : memref<2x256x224x224xf32, #tpu.memory_space<hbm>> -> memref<1x8x16x224xf32, #tpu.memory_space<hbm>>
    %dma_start3A_30 = arith.constant 0 : i32
    %dma_start3A_31 = arith.constant 48 : i32
    %dma_start3A_32 = arith.constant 0 : i32
    %dma_start3A_33 = tpu.memref_slice %arg3[%dma_start3A_30, %mul3A_2, %dma_start3A_31, %dma_start3A_32] : memref<2x256x224x224xf32, #tpu.memory_space<hbm>> -> memref<1x8x16x224xf32, #tpu.memory_space<hbm>>
    tpu.enqueue_dma source(%arg4 : memref<1x8x16x224xf32, #tpu.memory_space<vmem>>) target(%dma_start3A_33 : memref<1x8x16x224xf32, #tpu.memory_space<hbm>>) target_semaphore(%arg5 : memref<!tpu.dma_semaphore, #tpu.memory_space<semaphore_mem>>)
    %dma_start3A_34 = arith.constant 0 : i32
    %dma_start3A_35 = arith.constant 64 : i32
    %dma_start3A_36 = arith.constant 0 : i32
    %dma_start3A_37 = tpu.memref_slice %arg3[%dma_start3A_34, %mul3A_2, %dma_start3A_35, %dma_start3A_36] : memref<2x256x224x224xf32, #tpu.memory_space<hbm>> -> memref<1x8x16x224xf32, #tpu.memory_space<hbm>>
    %dma_start3A_38 = arith.constant 0 : i32
    %dma_start3A_39 = arith.constant 64 : i32
    %dma_start3A_40 = arith.constant 0 : i32
    %dma_start3A_41 = tpu.memref_slice %arg3[%dma_start3A_38, %mul3A_2, %dma_start3A_39, %dma_start3A_40] : memref<2x256x224x224xf32, #tpu.memory_space<hbm>> -> memref<1x8x16x224xf32, #tpu.memory_space<hbm>>
    tpu.enqueue_dma source(%arg4 : memref<1x8x16x224xf32, #tpu.memory_space<vmem>>) target(%dma_start3A_41 : memref<1x8x16x224xf32, #tpu.memory_space<hbm>>) target_semaphore(%arg5 : memref<!tpu.dma_semaphore, #tpu.memory_space<semaphore_mem>>)
    %dma_start3A_42 = arith.constant 0 : i32
    %dma_start3A_43 = arith.constant 80 : i32
    %dma_start3A_44 = arith.constant 0 : i32
    %dma_start3A_45 = tpu.memref_slice %arg3[%dma_start3A_42, %mul3A_2, %dma_start3A_43, %dma_start3A_44] : memref<2x256x224x224xf32, #tpu.memory_space<hbm>> -> memref<1x8x16x224xf32, #tpu.memory_space<hbm>>
    %dma_start3A_46 = arith.constant 0 : i32
    %dma_start3A_47 = arith.constant 80 : i32
    %dma_start3A_48 = arith.constant 0 : i32
    %dma_start3A_49 = tpu.memref_slice %arg3[%dma_start3A_46, %mul3A_2, %dma_start3A_47, %dma_start3A_48] : memref<2x256x224x224xf32, #tpu.memory_space<hbm>> -> memref<1x8x16x224xf32, #tpu.memory_space<hbm>>
    tpu.enqueue_dma source(%arg4 : memref<1x8x16x224xf32, #tpu.memory_space<vmem>>) target(%dma_start3A_49 : memref<1x8x16x224xf32, #tpu.memory_space<hbm>>) target_semaphore(%arg5 : memref<!tpu.dma_semaphore, #tpu.memory_space<semaphore_mem>>)
    %dma_start3A_50 = arith.constant 0 : i32
    %dma_start3A_51 = arith.constant 96 : i32
    %dma_start3A_52 = arith.constant 0 : i32
    %dma_start3A_53 = tpu.memref_slice %arg3[%dma_start3A_50, %mul3A_2, %dma_start3A_51, %dma_start3A_52] : memref<2x256x224x224xf32, #tpu.memory_space<hbm>> -> memref<1x8x16x224xf32, #tpu.memory_space<hbm>>
    %dma_start3A_54 = arith.constant 0 : i32
    %dma_start3A_55 = arith.constant 96 : i32
    %dma_start3A_56 = arith.constant 0 : i32
    %dma_start3A_57 = tpu.memref_slice %arg3[%dma_start3A_54, %mul3A_2, %dma_start3A_55, %dma_start3A_56] : memref<2x256x224x224xf32, #tpu.memory_space<hbm>> -> memref<1x8x16x224xf32, #tpu.memory_space<hbm>>
    tpu.enqueue_dma source(%arg4 : memref<1x8x16x224xf32, #tpu.memory_space<vmem>>) target(%dma_start3A_57 : memref<1x8x16x224xf32, #tpu.memory_space<hbm>>) target_semaphore(%arg5 : memref<!tpu.dma_semaphore, #tpu.memory_space<semaphore_mem>>)
    %dma_start3A_58 = arith.constant 0 : i32
    %dma_start3A_59 = arith.constant 112 : i32
    %dma_start3A_60 = arith.constant 0 : i32
    %dma_start3A_61 = tpu.memref_slice %arg3[%dma_start3A_58, %mul3A_2, %dma_start3A_59, %dma_start3A_60] : memref<2x256x224x224xf32, #tpu.memory_space<hbm>> -> memref<1x8x16x224xf32, #tpu.memory_space<hbm>>
    %dma_start3A_62 = arith.constant 0 : i32
    %dma_start3A_63 = arith.constant 112 : i32
    %dma_start3A_64 = arith.constant 0 : i32
    %dma_start3A_65 = tpu.memref_slice %arg3[%dma_start3A_62, %mul3A_2, %dma_start3A_63, %dma_start3A_64] : memref<2x256x224x224xf32, #tpu.memory_space<hbm>> -> memref<1x8x16x224xf32, #tpu.memory_space<hbm>>
    tpu.enqueue_dma source(%arg4 : memref<1x8x16x224xf32, #tpu.memory_space<vmem>>) target(%dma_start3A_65 : memref<1x8x16x224xf32, #tpu.memory_space<hbm>>) target_semaphore(%arg5 : memref<!tpu.dma_semaphore, #tpu.memory_space<semaphore_mem>>)
    %dma_start3A_66 = arith.constant 0 : i32
    %dma_start3A_67 = arith.constant 128 : i32
    %dma_start3A_68 = arith.constant 0 : i32
    %dma_start3A_69 = tpu.memref_slice %arg3[%dma_start3A_66, %mul3A_2, %dma_start3A_67, %dma_start3A_68] : memref<2x256x224x224xf32, #tpu.memory_space<hbm>> -> memref<1x8x16x224xf32, #tpu.memory_space<hbm>>
    %dma_start3A_70 = arith.constant 0 : i32
    %dma_start3A_71 = arith.constant 128 : i32
    %dma_start3A_72 = arith.constant 0 : i32
    %dma_start3A_73 = tpu.memref_slice %arg3[%dma_start3A_70, %mul3A_2, %dma_start3A_71, %dma_start3A_72] : memref<2x256x224x224xf32, #tpu.memory_space<hbm>> -> memref<1x8x16x224xf32, #tpu.memory_space<hbm>>
    tpu.enqueue_dma source(%arg4 : memref<1x8x16x224xf32, #tpu.memory_space<vmem>>) target(%dma_start3A_73 : memref<1x8x16x224xf32, #tpu.memory_space<hbm>>) target_semaphore(%arg5 : memref<!tpu.dma_semaphore, #tpu.memory_space<semaphore_mem>>)
    %dma_start3A_74 = arith.constant 0 : i32
    %dma_start3A_75 = arith.constant 144 : i32
    %dma_start3A_76 = arith.constant 0 : i32
    %dma_start3A_77 = tpu.memref_slice %arg3[%dma_start3A_74, %mul3A_2, %dma_start3A_75, %dma_start3A_76] : memref<2x256x224x224xf32, #tpu.memory_space<hbm>> -> memref<1x8x16x224xf32, #tpu.memory_space<hbm>>
    %dma_start3A_78 = arith.constant 0 : i32
    %dma_start3A_79 = arith.constant 144 : i32
    %dma_start3A_80 = arith.constant 0 : i32
    %dma_start3A_81 = tpu.memref_slice %arg3[%dma_start3A_78, %mul3A_2, %dma_start3A_79, %dma_start3A_80] : memref<2x256x224x224xf32, #tpu.memory_space<hbm>> -> memref<1x8x16x224xf32, #tpu.memory_space<hbm>>
    tpu.enqueue_dma source(%arg4 : memref<1x8x16x224xf32, #tpu.memory_space<vmem>>) target(%dma_start3A_81 : memref<1x8x16x224xf32, #tpu.memory_space<hbm>>) target_semaphore(%arg5 : memref<!tpu.dma_semaphore, #tpu.memory_space<semaphore_mem>>)
    %dma_start3A_82 = arith.constant 0 : i32
    %dma_start3A_83 = arith.constant 160 : i32
    %dma_start3A_84 = arith.constant 0 : i32
    %dma_start3A_85 = tpu.memref_slice %arg3[%dma_start3A_82, %mul3A_2, %dma_start3A_83, %dma_start3A_84] : memref<2x256x224x224xf32, #tpu.memory_space<hbm>> -> memref<1x8x16x224xf32, #tpu.memory_space<hbm>>
    %dma_start3A_86 = arith.constant 0 : i32
    %dma_start3A_87 = arith.constant 160 : i32
    %dma_start3A_88 = arith.constant 0 : i32
    %dma_start3A_89 = tpu.memref_slice %arg3[%dma_start3A_86, %mul3A_2, %dma_start3A_87, %dma_start3A_88] : memref<2x256x224x224xf32, #tpu.memory_space<hbm>> -> memref<1x8x16x224xf32, #tpu.memory_space<hbm>>
    tpu.enqueue_dma source(%arg4 : memref<1x8x16x224xf32, #tpu.memory_space<vmem>>) target(%dma_start3A_89 : memref<1x8x16x224xf32, #tpu.memory_space<hbm>>) target_semaphore(%arg5 : memref<!tpu.dma_semaphore, #tpu.memory_space<semaphore_mem>>)
    %dma_start3A_90 = arith.constant 0 : i32
    %dma_start3A_91 = arith.constant 176 : i32
    %dma_start3A_92 = arith.constant 0 : i32
    %dma_start3A_93 = tpu.memref_slice %arg3[%dma_start3A_90, %mul3A_2, %dma_start3A_91, %dma_start3A_92] : memref<2x256x224x224xf32, #tpu.memory_space<hbm>> -> memref<1x8x16x224xf32, #tpu.memory_space<hbm>>
    %dma_start3A_94 = arith.constant 0 : i32
    %dma_start3A_95 = arith.constant 176 : i32
    %dma_start3A_96 = arith.constant 0 : i32
    %dma_start3A_97 = tpu.memref_slice %arg3[%dma_start3A_94, %mul3A_2, %dma_start3A_95, %dma_start3A_96] : memref<2x256x224x224xf32, #tpu.memory_space<hbm>> -> memref<1x8x16x224xf32, #tpu.memory_space<hbm>>
    tpu.enqueue_dma source(%arg4 : memref<1x8x16x224xf32, #tpu.memory_space<vmem>>) target(%dma_start3A_97 : memref<1x8x16x224xf32, #tpu.memory_space<hbm>>) target_semaphore(%arg5 : memref<!tpu.dma_semaphore, #tpu.memory_space<semaphore_mem>>)
    %dma_start3A_98 = arith.constant 0 : i32
    %dma_start3A_99 = arith.constant 192 : i32
    %dma_start3A_100 = arith.constant 0 : i32
    %dma_start3A_101 = tpu.memref_slice %arg3[%dma_start3A_98, %mul3A_2, %dma_start3A_99, %dma_start3A_100] : memref<2x256x224x224xf32, #tpu.memory_space<hbm>> -> memref<1x8x16x224xf32, #tpu.memory_space<hbm>>
    %dma_start3A_102 = arith.constant 0 : i32
    %dma_start3A_103 = arith.constant 192 : i32
    %dma_start3A_104 = arith.constant 0 : i32
    %dma_start3A_105 = tpu.memref_slice %arg3[%dma_start3A_102, %mul3A_2, %dma_start3A_103, %dma_start3A_104] : memref<2x256x224x224xf32, #tpu.memory_space<hbm>> -> memref<1x8x16x224xf32, #tpu.memory_space<hbm>>
    tpu.enqueue_dma source(%arg4 : memref<1x8x16x224xf32, #tpu.memory_space<vmem>>) target(%dma_start3A_105 : memref<1x8x16x224xf32, #tpu.memory_space<hbm>>) target_semaphore(%arg5 : memref<!tpu.dma_semaphore, #tpu.memory_space<semaphore_mem>>)
    %dma_start3A_106 = arith.constant 0 : i32
    %dma_start3A_107 = arith.constant 208 : i32
    %dma_start3A_108 = arith.constant 0 : i32
    %dma_start3A_109 = tpu.memref_slice %arg3[%dma_start3A_106, %mul3A_2, %dma_start3A_107, %dma_start3A_108] : memref<2x256x224x224xf32, #tpu.memory_space<hbm>> -> memref<1x8x16x224xf32, #tpu.memory_space<hbm>>
    %dma_start3A_110 = arith.constant 0 : i32
    %dma_start3A_111 = arith.constant 208 : i32
    %dma_start3A_112 = arith.constant 0 : i32
    %dma_start3A_113 = tpu.memref_slice %arg3[%dma_start3A_110, %mul3A_2, %dma_start3A_111, %dma_start3A_112] : memref<2x256x224x224xf32, #tpu.memory_space<hbm>> -> memref<1x8x16x224xf32, #tpu.memory_space<hbm>>
    tpu.enqueue_dma source(%arg4 : memref<1x8x16x224xf32, #tpu.memory_space<vmem>>) target(%dma_start3A_113 : memref<1x8x16x224xf32, #tpu.memory_space<hbm>>) target_semaphore(%arg5 : memref<!tpu.dma_semaphore, #tpu.memory_space<semaphore_mem>>)
    %dma_start3A_114 = arith.constant 1 : i32
    %dma_start3A_115 = arith.constant 0 : i32
    %dma_start3A_116 = arith.constant 0 : i32
    %dma_start3A_117 = tpu.memref_slice %arg3[%dma_start3A_114, %mul3A_2, %dma_start3A_115, %dma_start3A_116] : memref<2x256x224x224xf32, #tpu.memory_space<hbm>> -> memref<1x8x16x224xf32, #tpu.memory_space<hbm>>
    %dma_start3A_118 = arith.constant 1 : i32
    %dma_start3A_119 = arith.constant 0 : i32
    %dma_start3A_120 = arith.constant 0 : i32
    %dma_start3A_121 = tpu.memref_slice %arg3[%dma_start3A_118, %mul3A_2, %dma_start3A_119, %dma_start3A_120] : memref<2x256x224x224xf32, #tpu.memory_space<hbm>> -> memref<1x8x16x224xf32, #tpu.memory_space<hbm>>
    tpu.enqueue_dma source(%arg4 : memref<1x8x16x224xf32, #tpu.memory_space<vmem>>) target(%dma_start3A_121 : memref<1x8x16x224xf32, #tpu.memory_space<hbm>>) target_semaphore(%arg5 : memref<!tpu.dma_semaphore, #tpu.memory_space<semaphore_mem>>)
    %dma_start3A_122 = arith.constant 1 : i32
    %dma_start3A_123 = arith.constant 16 : i32
    %dma_start3A_124 = arith.constant 0 : i32
    %dma_start3A_125 = tpu.memref_slice %arg3[%dma_start3A_122, %mul3A_2, %dma_start3A_123, %dma_start3A_124] : memref<2x256x224x224xf32, #tpu.memory_space<hbm>> -> memref<1x8x16x224xf32, #tpu.memory_space<hbm>>
    %dma_start3A_126 = arith.constant 1 : i32
    %dma_start3A_127 = arith.constant 16 : i32
    %dma_start3A_128 = arith.constant 0 : i32
    %dma_start3A_129 = tpu.memref_slice %arg3[%dma_start3A_126, %mul3A_2, %dma_start3A_127, %dma_start3A_128] : memref<2x256x224x224xf32, #tpu.memory_space<hbm>> -> memref<1x8x16x224xf32, #tpu.memory_space<hbm>>
    tpu.enqueue_dma source(%arg4 : memref<1x8x16x224xf32, #tpu.memory_space<vmem>>) target(%dma_start3A_129 : memref<1x8x16x224xf32, #tpu.memory_space<hbm>>) target_semaphore(%arg5 : memref<!tpu.dma_semaphore, #tpu.memory_space<semaphore_mem>>)
    %dma_start3A_130 = arith.constant 1 : i32
    %dma_start3A_131 = arith.constant 32 : i32
    %dma_start3A_132 = arith.constant 0 : i32
    %dma_start3A_133 = tpu.memref_slice %arg3[%dma_start3A_130, %mul3A_2, %dma_start3A_131, %dma_start3A_132] : memref<2x256x224x224xf32, #tpu.memory_space<hbm>> -> memref<1x8x16x224xf32, #tpu.memory_space<hbm>>
    %dma_start3A_134 = arith.constant 1 : i32
    %dma_start3A_135 = arith.constant 32 : i32
    %dma_start3A_136 = arith.constant 0 : i32
    %dma_start3A_137 = tpu.memref_slice %arg3[%dma_start3A_134, %mul3A_2, %dma_start3A_135, %dma_start3A_136] : memref<2x256x224x224xf32, #tpu.memory_space<hbm>> -> memref<1x8x16x224xf32, #tpu.memory_space<hbm>>
    tpu.enqueue_dma source(%arg4 : memref<1x8x16x224xf32, #tpu.memory_space<vmem>>) target(%dma_start3A_137 : memref<1x8x16x224xf32, #tpu.memory_space<hbm>>) target_semaphore(%arg5 : memref<!tpu.dma_semaphore, #tpu.memory_space<semaphore_mem>>)
    %dma_start3A_138 = arith.constant 1 : i32
    %dma_start3A_139 = arith.constant 48 : i32
    %dma_start3A_140 = arith.constant 0 : i32
    %dma_start3A_141 = tpu.memref_slice %arg3[%dma_start3A_138, %mul3A_2, %dma_start3A_139, %dma_start3A_140] : memref<2x256x224x224xf32, #tpu.memory_space<hbm>> -> memref<1x8x16x224xf32, #tpu.memory_space<hbm>>
    %dma_start3A_142 = arith.constant 1 : i32
    %dma_start3A_143 = arith.constant 48 : i32
    %dma_start3A_144 = arith.constant 0 : i32
    %dma_start3A_145 = tpu.memref_slice %arg3[%dma_start3A_142, %mul3A_2, %dma_start3A_143, %dma_start3A_144] : memref<2x256x224x224xf32, #tpu.memory_space<hbm>> -> memref<1x8x16x224xf32, #tpu.memory_space<hbm>>
    tpu.enqueue_dma source(%arg4 : memref<1x8x16x224xf32, #tpu.memory_space<vmem>>) target(%dma_start3A_145 : memref<1x8x16x224xf32, #tpu.memory_space<hbm>>) target_semaphore(%arg5 : memref<!tpu.dma_semaphore, #tpu.memory_space<semaphore_mem>>)
    %dma_start3A_146 = arith.constant 1 : i32
    %dma_start3A_147 = arith.constant 64 : i32
    %dma_start3A_148 = arith.constant 0 : i32
    %dma_start3A_149 = tpu.memref_slice %arg3[%dma_start3A_146, %mul3A_2, %dma_start3A_147, %dma_start3A_148] : memref<2x256x224x224xf32, #tpu.memory_space<hbm>> -> memref<1x8x16x224xf32, #tpu.memory_space<hbm>>
    %dma_start3A_150 = arith.constant 1 : i32
    %dma_start3A_151 = arith.constant 64 : i32
    %dma_start3A_152 = arith.constant 0 : i32
    %dma_start3A_153 = tpu.memref_slice %arg3[%dma_start3A_150, %mul3A_2, %dma_start3A_151, %dma_start3A_152] : memref<2x256x224x224xf32, #tpu.memory_space<hbm>> -> memref<1x8x16x224xf32, #tpu.memory_space<hbm>>
    tpu.enqueue_dma source(%arg4 : memref<1x8x16x224xf32, #tpu.memory_space<vmem>>) target(%dma_start3A_153 : memref<1x8x16x224xf32, #tpu.memory_space<hbm>>) target_semaphore(%arg5 : memref<!tpu.dma_semaphore, #tpu.memory_space<semaphore_mem>>)
    %dma_start3A_154 = arith.constant 1 : i32
    %dma_start3A_155 = arith.constant 80 : i32
    %dma_start3A_156 = arith.constant 0 : i32
    %dma_start3A_157 = tpu.memref_slice %arg3[%dma_start3A_154, %mul3A_2, %dma_start3A_155, %dma_start3A_156] : memref<2x256x224x224xf32, #tpu.memory_space<hbm>> -> memref<1x8x16x224xf32, #tpu.memory_space<hbm>>
    %dma_start3A_158 = arith.constant 1 : i32
    %dma_start3A_159 = arith.constant 80 : i32
    %dma_start3A_160 = arith.constant 0 : i32
    %dma_start3A_161 = tpu.memref_slice %arg3[%dma_start3A_158, %mul3A_2, %dma_start3A_159, %dma_start3A_160] : memref<2x256x224x224xf32, #tpu.memory_space<hbm>> -> memref<1x8x16x224xf32, #tpu.memory_space<hbm>>
    tpu.enqueue_dma source(%arg4 : memref<1x8x16x224xf32, #tpu.memory_space<vmem>>) target(%dma_start3A_161 : memref<1x8x16x224xf32, #tpu.memory_space<hbm>>) target_semaphore(%arg5 : memref<!tpu.dma_semaphore, #tpu.memory_space<semaphore_mem>>)
    %dma_start3A_162 = arith.constant 1 : i32
    %dma_start3A_163 = arith.constant 96 : i32
    %dma_start3A_164 = arith.constant 0 : i32
    %dma_start3A_165 = tpu.memref_slice %arg3[%dma_start3A_162, %mul3A_2, %dma_start3A_163, %dma_start3A_164] : memref<2x256x224x224xf32, #tpu.memory_space<hbm>> -> memref<1x8x16x224xf32, #tpu.memory_space<hbm>>
    %dma_start3A_166 = arith.constant 1 : i32
    %dma_start3A_167 = arith.constant 96 : i32
    %dma_start3A_168 = arith.constant 0 : i32
    %dma_start3A_169 = tpu.memref_slice %arg3[%dma_start3A_166, %mul3A_2, %dma_start3A_167, %dma_start3A_168] : memref<2x256x224x224xf32, #tpu.memory_space<hbm>> -> memref<1x8x16x224xf32, #tpu.memory_space<hbm>>
    tpu.enqueue_dma source(%arg4 : memref<1x8x16x224xf32, #tpu.memory_space<vmem>>) target(%dma_start3A_169 : memref<1x8x16x224xf32, #tpu.memory_space<hbm>>) target_semaphore(%arg5 : memref<!tpu.dma_semaphore, #tpu.memory_space<semaphore_mem>>)
    %dma_start3A_170 = arith.constant 1 : i32
    %dma_start3A_171 = arith.constant 112 : i32
    %dma_start3A_172 = arith.constant 0 : i32
    %dma_start3A_173 = tpu.memref_slice %arg3[%dma_start3A_170, %mul3A_2, %dma_start3A_171, %dma_start3A_172] : memref<2x256x224x224xf32, #tpu.memory_space<hbm>> -> memref<1x8x16x224xf32, #tpu.memory_space<hbm>>
    %dma_start3A_174 = arith.constant 1 : i32
    %dma_start3A_175 = arith.constant 112 : i32
    %dma_start3A_176 = arith.constant 0 : i32
    %dma_start3A_177 = tpu.memref_slice %arg3[%dma_start3A_174, %mul3A_2, %dma_start3A_175, %dma_start3A_176] : memref<2x256x224x224xf32, #tpu.memory_space<hbm>> -> memref<1x8x16x224xf32, #tpu.memory_space<hbm>>
    tpu.enqueue_dma source(%arg4 : memref<1x8x16x224xf32, #tpu.memory_space<vmem>>) target(%dma_start3A_177 : memref<1x8x16x224xf32, #tpu.memory_space<hbm>>) target_semaphore(%arg5 : memref<!tpu.dma_semaphore, #tpu.memory_space<semaphore_mem>>)
    %dma_start3A_178 = arith.constant 1 : i32
    %dma_start3A_179 = arith.constant 128 : i32
    %dma_start3A_180 = arith.constant 0 : i32
    %dma_start3A_181 = tpu.memref_slice %arg3[%dma_start3A_178, %mul3A_2, %dma_start3A_179, %dma_start3A_180] : memref<2x256x224x224xf32, #tpu.memory_space<hbm>> -> memref<1x8x16x224xf32, #tpu.memory_space<hbm>>
    %dma_start3A_182 = arith.constant 1 : i32
    %dma_start3A_183 = arith.constant 128 : i32
    %dma_start3A_184 = arith.constant 0 : i32
    %dma_start3A_185 = tpu.memref_slice %arg3[%dma_start3A_182, %mul3A_2, %dma_start3A_183, %dma_start3A_184] : memref<2x256x224x224xf32, #tpu.memory_space<hbm>> -> memref<1x8x16x224xf32, #tpu.memory_space<hbm>>
    tpu.enqueue_dma source(%arg4 : memref<1x8x16x224xf32, #tpu.memory_space<vmem>>) target(%dma_start3A_185 : memref<1x8x16x224xf32, #tpu.memory_space<hbm>>) target_semaphore(%arg5 : memref<!tpu.dma_semaphore, #tpu.memory_space<semaphore_mem>>)
    %dma_start3A_186 = arith.constant 1 : i32
    %dma_start3A_187 = arith.constant 144 : i32
    %dma_start3A_188 = arith.constant 0 : i32
    %dma_start3A_189 = tpu.memref_slice %arg3[%dma_start3A_186, %mul3A_2, %dma_start3A_187, %dma_start3A_188] : memref<2x256x224x224xf32, #tpu.memory_space<hbm>> -> memref<1x8x16x224xf32, #tpu.memory_space<hbm>>
    %dma_start3A_190 = arith.constant 1 : i32
    %dma_start3A_191 = arith.constant 144 : i32
    %dma_start3A_192 = arith.constant 0 : i32
    %dma_start3A_193 = tpu.memref_slice %arg3[%dma_start3A_190, %mul3A_2, %dma_start3A_191, %dma_start3A_192] : memref<2x256x224x224xf32, #tpu.memory_space<hbm>> -> memref<1x8x16x224xf32, #tpu.memory_space<hbm>>
    tpu.enqueue_dma source(%arg4 : memref<1x8x16x224xf32, #tpu.memory_space<vmem>>) target(%dma_start3A_193 : memref<1x8x16x224xf32, #tpu.memory_space<hbm>>) target_semaphore(%arg5 : memref<!tpu.dma_semaphore, #tpu.memory_space<semaphore_mem>>)
    %dma_start3A_194 = arith.constant 1 : i32
    %dma_start3A_195 = arith.constant 160 : i32
    %dma_start3A_196 = arith.constant 0 : i32
    %dma_start3A_197 = tpu.memref_slice %arg3[%dma_start3A_194, %mul3A_2, %dma_start3A_195, %dma_start3A_196] : memref<2x256x224x224xf32, #tpu.memory_space<hbm>> -> memref<1x8x16x224xf32, #tpu.memory_space<hbm>>
    %dma_start3A_198 = arith.constant 1 : i32
    %dma_start3A_199 = arith.constant 160 : i32
    %dma_start3A_200 = arith.constant 0 : i32
    %dma_start3A_201 = tpu.memref_slice %arg3[%dma_start3A_198, %mul3A_2, %dma_start3A_199, %dma_start3A_200] : memref<2x256x224x224xf32, #tpu.memory_space<hbm>> -> memref<1x8x16x224xf32, #tpu.memory_space<hbm>>
    tpu.enqueue_dma source(%arg4 : memref<1x8x16x224xf32, #tpu.memory_space<vmem>>) target(%dma_start3A_201 : memref<1x8x16x224xf32, #tpu.memory_space<hbm>>) target_semaphore(%arg5 : memref<!tpu.dma_semaphore, #tpu.memory_space<semaphore_mem>>)
    %dma_start3A_202 = arith.constant 1 : i32
    %dma_start3A_203 = arith.constant 176 : i32
    %dma_start3A_204 = arith.constant 0 : i32
    %dma_start3A_205 = tpu.memref_slice %arg3[%dma_start3A_202, %mul3A_2, %dma_start3A_203, %dma_start3A_204] : memref<2x256x224x224xf32, #tpu.memory_space<hbm>> -> memref<1x8x16x224xf32, #tpu.memory_space<hbm>>
    %dma_start3A_206 = arith.constant 1 : i32
    %dma_start3A_207 = arith.constant 176 : i32
    %dma_start3A_208 = arith.constant 0 : i32
    %dma_start3A_209 = tpu.memref_slice %arg3[%dma_start3A_206, %mul3A_2, %dma_start3A_207, %dma_start3A_208] : memref<2x256x224x224xf32, #tpu.memory_space<hbm>> -> memref<1x8x16x224xf32, #tpu.memory_space<hbm>>
    tpu.enqueue_dma source(%arg4 : memref<1x8x16x224xf32, #tpu.memory_space<vmem>>) target(%dma_start3A_209 : memref<1x8x16x224xf32, #tpu.memory_space<hbm>>) target_semaphore(%arg5 : memref<!tpu.dma_semaphore, #tpu.memory_space<semaphore_mem>>)
    %dma_start3A_210 = arith.constant 1 : i32
    %dma_start3A_211 = arith.constant 192 : i32
    %dma_start3A_212 = arith.constant 0 : i32
    %dma_start3A_213 = tpu.memref_slice %arg3[%dma_start3A_210, %mul3A_2, %dma_start3A_211, %dma_start3A_212] : memref<2x256x224x224xf32, #tpu.memory_space<hbm>> -> memref<1x8x16x224xf32, #tpu.memory_space<hbm>>
    %dma_start3A_214 = arith.constant 1 : i32
    %dma_start3A_215 = arith.constant 192 : i32
    %dma_start3A_216 = arith.constant 0 : i32
    %dma_start3A_217 = tpu.memref_slice %arg3[%dma_start3A_214, %mul3A_2, %dma_start3A_215, %dma_start3A_216] : memref<2x256x224x224xf32, #tpu.memory_space<hbm>> -> memref<1x8x16x224xf32, #tpu.memory_space<hbm>>
    tpu.enqueue_dma source(%arg4 : memref<1x8x16x224xf32, #tpu.memory_space<vmem>>) target(%dma_start3A_217 : memref<1x8x16x224xf32, #tpu.memory_space<hbm>>) target_semaphore(%arg5 : memref<!tpu.dma_semaphore, #tpu.memory_space<semaphore_mem>>)
    %dma_start3A_218 = arith.constant 1 : i32
    %dma_start3A_219 = arith.constant 208 : i32
    %dma_start3A_220 = arith.constant 0 : i32
    %dma_start3A_221 = tpu.memref_slice %arg3[%dma_start3A_218, %mul3A_2, %dma_start3A_219, %dma_start3A_220] : memref<2x256x224x224xf32, #tpu.memory_space<hbm>> -> memref<1x8x16x224xf32, #tpu.memory_space<hbm>>
    %dma_start3A_222 = arith.constant 1 : i32
    %dma_start3A_223 = arith.constant 208 : i32
    %dma_start3A_224 = arith.constant 0 : i32
    %dma_start3A_225 = tpu.memref_slice %arg3[%dma_start3A_222, %mul3A_2, %dma_start3A_223, %dma_start3A_224] : memref<2x256x224x224xf32, #tpu.memory_space<hbm>> -> memref<1x8x16x224xf32, #tpu.memory_space<hbm>>
    tpu.enqueue_dma source(%arg4 : memref<1x8x16x224xf32, #tpu.memory_space<vmem>>) target(%dma_start3A_225 : memref<1x8x16x224xf32, #tpu.memory_space<hbm>>) target_semaphore(%arg5 : memref<!tpu.dma_semaphore, #tpu.memory_space<semaphore_mem>>)
    %dma_wait3A = arith.constant 0 : i32
    %dma_wait3A_226 = arith.constant 0 : i32
    %dma_wait3A_227 = arith.constant 0 : i32
    %dma_wait3A_228 = tpu.memref_slice %arg3[%dma_wait3A, %mul3A_2, %dma_wait3A_226, %dma_wait3A_227] : memref<2x256x224x224xf32, #tpu.memory_space<hbm>> -> memref<1x8x16x224xf32, #tpu.memory_space<hbm>>
    %dma_wait3A_229 = arith.constant 0 : i32
    %dma_wait3A_230 = arith.constant 0 : i32
    %dma_wait3A_231 = arith.constant 0 : i32
    %dma_wait3A_232 = tpu.memref_slice %arg3[%dma_wait3A_229, %mul3A_2, %dma_wait3A_230, %dma_wait3A_231] : memref<2x256x224x224xf32, #tpu.memory_space<hbm>> -> memref<1x8x16x224xf32, #tpu.memory_space<hbm>>
    tpu.wait_dma2 semaphore(%arg5 : memref<!tpu.dma_semaphore, #tpu.memory_space<semaphore_mem>>) src(%arg4 : memref<1x8x16x224xf32, #tpu.memory_space<vmem>>) dst(%dma_wait3A_232 : memref<1x8x16x224xf32, #tpu.memory_space<hbm>>)
    %dma_wait3A_233 = arith.constant 0 : i32
    %dma_wait3A_234 = arith.constant 16 : i32
    %dma_wait3A_235 = arith.constant 0 : i32
    %dma_wait3A_236 = tpu.memref_slice %arg3[%dma_wait3A_233, %mul3A_2, %dma_wait3A_234, %dma_wait3A_235] : memref<2x256x224x224xf32, #tpu.memory_space<hbm>> -> memref<1x8x16x224xf32, #tpu.memory_space<hbm>>
    %dma_wait3A_237 = arith.constant 0 : i32
    %dma_wait3A_238 = arith.constant 16 : i32
    %dma_wait3A_239 = arith.constant 0 : i32
    %dma_wait3A_240 = tpu.memref_slice %arg3[%dma_wait3A_237, %mul3A_2, %dma_wait3A_238, %dma_wait3A_239] : memref<2x256x224x224xf32, #tpu.memory_space<hbm>> -> memref<1x8x16x224xf32, #tpu.memory_space<hbm>>
    tpu.wait_dma2 semaphore(%arg5 : memref<!tpu.dma_semaphore, #tpu.memory_space<semaphore_mem>>) src(%arg4 : memref<1x8x16x224xf32, #tpu.memory_space<vmem>>) dst(%dma_wait3A_240 : memref<1x8x16x224xf32, #tpu.memory_space<hbm>>)
    %dma_wait3A_241 = arith.constant 0 : i32
    %dma_wait3A_242 = arith.constant 32 : i32
    %dma_wait3A_243 = arith.constant 0 : i32
    %dma_wait3A_244 = tpu.memref_slice %arg3[%dma_wait3A_241, %mul3A_2, %dma_wait3A_242, %dma_wait3A_243] : memref<2x256x224x224xf32, #tpu.memory_space<hbm>> -> memref<1x8x16x224xf32, #tpu.memory_space<hbm>>
    %dma_wait3A_245 = arith.constant 0 : i32
    %dma_wait3A_246 = arith.constant 32 : i32
    %dma_wait3A_247 = arith.constant 0 : i32
    %dma_wait3A_248 = tpu.memref_slice %arg3[%dma_wait3A_245, %mul3A_2, %dma_wait3A_246, %dma_wait3A_247] : memref<2x256x224x224xf32, #tpu.memory_space<hbm>> -> memref<1x8x16x224xf32, #tpu.memory_space<hbm>>
    tpu.wait_dma2 semaphore(%arg5 : memref<!tpu.dma_semaphore, #tpu.memory_space<semaphore_mem>>) src(%arg4 : memref<1x8x16x224xf32, #tpu.memory_space<vmem>>) dst(%dma_wait3A_248 : memref<1x8x16x224xf32, #tpu.memory_space<hbm>>)
    %dma_wait3A_249 = arith.constant 0 : i32
    %dma_wait3A_250 = arith.constant 48 : i32
    %dma_wait3A_251 = arith.constant 0 : i32
    %dma_wait3A_252 = tpu.memref_slice %arg3[%dma_wait3A_249, %mul3A_2, %dma_wait3A_250, %dma_wait3A_251] : memref<2x256x224x224xf32, #tpu.memory_space<hbm>> -> memref<1x8x16x224xf32, #tpu.memory_space<hbm>>
    %dma_wait3A_253 = arith.constant 0 : i32
    %dma_wait3A_254 = arith.constant 48 : i32
    %dma_wait3A_255 = arith.constant 0 : i32
    %dma_wait3A_256 = tpu.memref_slice %arg3[%dma_wait3A_253, %mul3A_2, %dma_wait3A_254, %dma_wait3A_255] : memref<2x256x224x224xf32, #tpu.memory_space<hbm>> -> memref<1x8x16x224xf32, #tpu.memory_space<hbm>>
    tpu.wait_dma2 semaphore(%arg5 : memref<!tpu.dma_semaphore, #tpu.memory_space<semaphore_mem>>) src(%arg4 : memref<1x8x16x224xf32, #tpu.memory_space<vmem>>) dst(%dma_wait3A_256 : memref<1x8x16x224xf32, #tpu.memory_space<hbm>>)
    %dma_wait3A_257 = arith.constant 0 : i32
    %dma_wait3A_258 = arith.constant 64 : i32
    %dma_wait3A_259 = arith.constant 0 : i32
    %dma_wait3A_260 = tpu.memref_slice %arg3[%dma_wait3A_257, %mul3A_2, %dma_wait3A_258, %dma_wait3A_259] : memref<2x256x224x224xf32, #tpu.memory_space<hbm>> -> memref<1x8x16x224xf32, #tpu.memory_space<hbm>>
    %dma_wait3A_261 = arith.constant 0 : i32
    %dma_wait3A_262 = arith.constant 64 : i32
    %dma_wait3A_263 = arith.constant 0 : i32
    %dma_wait3A_264 = tpu.memref_slice %arg3[%dma_wait3A_261, %mul3A_2, %dma_wait3A_262, %dma_wait3A_263] : memref<2x256x224x224xf32, #tpu.memory_space<hbm>> -> memref<1x8x16x224xf32, #tpu.memory_space<hbm>>
    tpu.wait_dma2 semaphore(%arg5 : memref<!tpu.dma_semaphore, #tpu.memory_space<semaphore_mem>>) src(%arg4 : memref<1x8x16x224xf32, #tpu.memory_space<vmem>>) dst(%dma_wait3A_264 : memref<1x8x16x224xf32, #tpu.memory_space<hbm>>)
    %dma_wait3A_265 = arith.constant 0 : i32
    %dma_wait3A_266 = arith.constant 80 : i32
    %dma_wait3A_267 = arith.constant 0 : i32
    %dma_wait3A_268 = tpu.memref_slice %arg3[%dma_wait3A_265, %mul3A_2, %dma_wait3A_266, %dma_wait3A_267] : memref<2x256x224x224xf32, #tpu.memory_space<hbm>> -> memref<1x8x16x224xf32, #tpu.memory_space<hbm>>
    %dma_wait3A_269 = arith.constant 0 : i32
    %dma_wait3A_270 = arith.constant 80 : i32
    %dma_wait3A_271 = arith.constant 0 : i32
    %dma_wait3A_272 = tpu.memref_slice %arg3[%dma_wait3A_269, %mul3A_2, %dma_wait3A_270, %dma_wait3A_271] : memref<2x256x224x224xf32, #tpu.memory_space<hbm>> -> memref<1x8x16x224xf32, #tpu.memory_space<hbm>>
    tpu.wait_dma2 semaphore(%arg5 : memref<!tpu.dma_semaphore, #tpu.memory_space<semaphore_mem>>) src(%arg4 : memref<1x8x16x224xf32, #tpu.memory_space<vmem>>) dst(%dma_wait3A_272 : memref<1x8x16x224xf32, #tpu.memory_space<hbm>>)
    %dma_wait3A_273 = arith.constant 0 : i32
    %dma_wait3A_274 = arith.constant 96 : i32
    %dma_wait3A_275 = arith.constant 0 : i32
    %dma_wait3A_276 = tpu.memref_slice %arg3[%dma_wait3A_273, %mul3A_2, %dma_wait3A_274, %dma_wait3A_275] : memref<2x256x224x224xf32, #tpu.memory_space<hbm>> -> memref<1x8x16x224xf32, #tpu.memory_space<hbm>>
    %dma_wait3A_277 = arith.constant 0 : i32
    %dma_wait3A_278 = arith.constant 96 : i32
    %dma_wait3A_279 = arith.constant 0 : i32
    %dma_wait3A_280 = tpu.memref_slice %arg3[%dma_wait3A_277, %mul3A_2, %dma_wait3A_278, %dma_wait3A_279] : memref<2x256x224x224xf32, #tpu.memory_space<hbm>> -> memref<1x8x16x224xf32, #tpu.memory_space<hbm>>
    tpu.wait_dma2 semaphore(%arg5 : memref<!tpu.dma_semaphore, #tpu.memory_space<semaphore_mem>>) src(%arg4 : memref<1x8x16x224xf32, #tpu.memory_space<vmem>>) dst(%dma_wait3A_280 : memref<1x8x16x224xf32, #tpu.memory_space<hbm>>)
    %dma_wait3A_281 = arith.constant 0 : i32
    %dma_wait3A_282 = arith.constant 112 : i32
    %dma_wait3A_283 = arith.constant 0 : i32
    %dma_wait3A_284 = tpu.memref_slice %arg3[%dma_wait3A_281, %mul3A_2, %dma_wait3A_282, %dma_wait3A_283] : memref<2x256x224x224xf32, #tpu.memory_space<hbm>> -> memref<1x8x16x224xf32, #tpu.memory_space<hbm>>
    %dma_wait3A_285 = arith.constant 0 : i32
    %dma_wait3A_286 = arith.constant 112 : i32
    %dma_wait3A_287 = arith.constant 0 : i32
    %dma_wait3A_288 = tpu.memref_slice %arg3[%dma_wait3A_285, %mul3A_2, %dma_wait3A_286, %dma_wait3A_287] : memref<2x256x224x224xf32, #tpu.memory_space<hbm>> -> memref<1x8x16x224xf32, #tpu.memory_space<hbm>>
    tpu.wait_dma2 semaphore(%arg5 : memref<!tpu.dma_semaphore, #tpu.memory_space<semaphore_mem>>) src(%arg4 : memref<1x8x16x224xf32, #tpu.memory_space<vmem>>) dst(%dma_wait3A_288 : memref<1x8x16x224xf32, #tpu.memory_space<hbm>>)
    %dma_wait3A_289 = arith.constant 0 : i32
    %dma_wait3A_290 = arith.constant 128 : i32
    %dma_wait3A_291 = arith.constant 0 : i32
    %dma_wait3A_292 = tpu.memref_slice %arg3[%dma_wait3A_289, %mul3A_2, %dma_wait3A_290, %dma_wait3A_291] : memref<2x256x224x224xf32, #tpu.memory_space<hbm>> -> memref<1x8x16x224xf32, #tpu.memory_space<hbm>>
    %dma_wait3A_293 = arith.constant 0 : i32
    %dma_wait3A_294 = arith.constant 128 : i32
    %dma_wait3A_295 = arith.constant 0 : i32
    %dma_wait3A_296 = tpu.memref_slice %arg3[%dma_wait3A_293, %mul3A_2, %dma_wait3A_294, %dma_wait3A_295] : memref<2x256x224x224xf32, #tpu.memory_space<hbm>> -> memref<1x8x16x224xf32, #tpu.memory_space<hbm>>
    tpu.wait_dma2 semaphore(%arg5 : memref<!tpu.dma_semaphore, #tpu.memory_space<semaphore_mem>>) src(%arg4 : memref<1x8x16x224xf32, #tpu.memory_space<vmem>>) dst(%dma_wait3A_296 : memref<1x8x16x224xf32, #tpu.memory_space<hbm>>)
    %dma_wait3A_297 = arith.constant 0 : i32
    %dma_wait3A_298 = arith.constant 144 : i32
    %dma_wait3A_299 = arith.constant 0 : i32
    %dma_wait3A_300 = tpu.memref_slice %arg3[%dma_wait3A_297, %mul3A_2, %dma_wait3A_298, %dma_wait3A_299] : memref<2x256x224x224xf32, #tpu.memory_space<hbm>> -> memref<1x8x16x224xf32, #tpu.memory_space<hbm>>
    %dma_wait3A_301 = arith.constant 0 : i32
    %dma_wait3A_302 = arith.constant 144 : i32
    %dma_wait3A_303 = arith.constant 0 : i32
    %dma_wait3A_304 = tpu.memref_slice %arg3[%dma_wait3A_301, %mul3A_2, %dma_wait3A_302, %dma_wait3A_303] : memref<2x256x224x224xf32, #tpu.memory_space<hbm>> -> memref<1x8x16x224xf32, #tpu.memory_space<hbm>>
    tpu.wait_dma2 semaphore(%arg5 : memref<!tpu.dma_semaphore, #tpu.memory_space<semaphore_mem>>) src(%arg4 : memref<1x8x16x224xf32, #tpu.memory_space<vmem>>) dst(%dma_wait3A_304 : memref<1x8x16x224xf32, #tpu.memory_space<hbm>>)
    %dma_wait3A_305 = arith.constant 0 : i32
    %dma_wait3A_306 = arith.constant 160 : i32
    %dma_wait3A_307 = arith.constant 0 : i32
    %dma_wait3A_308 = tpu.memref_slice %arg3[%dma_wait3A_305, %mul3A_2, %dma_wait3A_306, %dma_wait3A_307] : memref<2x256x224x224xf32, #tpu.memory_space<hbm>> -> memref<1x8x16x224xf32, #tpu.memory_space<hbm>>
    %dma_wait3A_309 = arith.constant 0 : i32
    %dma_wait3A_310 = arith.constant 160 : i32
    %dma_wait3A_311 = arith.constant 0 : i32
    %dma_wait3A_312 = tpu.memref_slice %arg3[%dma_wait3A_309, %mul3A_2, %dma_wait3A_310, %dma_wait3A_311] : memref<2x256x224x224xf32, #tpu.memory_space<hbm>> -> memref<1x8x16x224xf32, #tpu.memory_space<hbm>>
    tpu.wait_dma2 semaphore(%arg5 : memref<!tpu.dma_semaphore, #tpu.memory_space<semaphore_mem>>) src(%arg4 : memref<1x8x16x224xf32, #tpu.memory_space<vmem>>) dst(%dma_wait3A_312 : memref<1x8x16x224xf32, #tpu.memory_space<hbm>>)
    %dma_wait3A_313 = arith.constant 0 : i32
    %dma_wait3A_314 = arith.constant 176 : i32
    %dma_wait3A_315 = arith.constant 0 : i32
    %dma_wait3A_316 = tpu.memref_slice %arg3[%dma_wait3A_313, %mul3A_2, %dma_wait3A_314, %dma_wait3A_315] : memref<2x256x224x224xf32, #tpu.memory_space<hbm>> -> memref<1x8x16x224xf32, #tpu.memory_space<hbm>>
    %dma_wait3A_317 = arith.constant 0 : i32
    %dma_wait3A_318 = arith.constant 176 : i32
    %dma_wait3A_319 = arith.constant 0 : i32
    %dma_wait3A_320 = tpu.memref_slice %arg3[%dma_wait3A_317, %mul3A_2, %dma_wait3A_318, %dma_wait3A_319] : memref<2x256x224x224xf32, #tpu.memory_space<hbm>> -> memref<1x8x16x224xf32, #tpu.memory_space<hbm>>
    tpu.wait_dma2 semaphore(%arg5 : memref<!tpu.dma_semaphore, #tpu.memory_space<semaphore_mem>>) src(%arg4 : memref<1x8x16x224xf32, #tpu.memory_space<vmem>>) dst(%dma_wait3A_320 : memref<1x8x16x224xf32, #tpu.memory_space<hbm>>)
    %dma_wait3A_321 = arith.constant 0 : i32
    %dma_wait3A_322 = arith.constant 192 : i32
    %dma_wait3A_323 = arith.constant 0 : i32
    %dma_wait3A_324 = tpu.memref_slice %arg3[%dma_wait3A_321, %mul3A_2, %dma_wait3A_322, %dma_wait3A_323] : memref<2x256x224x224xf32, #tpu.memory_space<hbm>> -> memref<1x8x16x224xf32, #tpu.memory_space<hbm>>
    %dma_wait3A_325 = arith.constant 0 : i32
    %dma_wait3A_326 = arith.constant 192 : i32
    %dma_wait3A_327 = arith.constant 0 : i32
    %dma_wait3A_328 = tpu.memref_slice %arg3[%dma_wait3A_325, %mul3A_2, %dma_wait3A_326, %dma_wait3A_327] : memref<2x256x224x224xf32, #tpu.memory_space<hbm>> -> memref<1x8x16x224xf32, #tpu.memory_space<hbm>>
    tpu.wait_dma2 semaphore(%arg5 : memref<!tpu.dma_semaphore, #tpu.memory_space<semaphore_mem>>) src(%arg4 : memref<1x8x16x224xf32, #tpu.memory_space<vmem>>) dst(%dma_wait3A_328 : memref<1x8x16x224xf32, #tpu.memory_space<hbm>>)
    %dma_wait3A_329 = arith.constant 0 : i32
    %dma_wait3A_330 = arith.constant 208 : i32
    %dma_wait3A_331 = arith.constant 0 : i32
    %dma_wait3A_332 = tpu.memref_slice %arg3[%dma_wait3A_329, %mul3A_2, %dma_wait3A_330, %dma_wait3A_331] : memref<2x256x224x224xf32, #tpu.memory_space<hbm>> -> memref<1x8x16x224xf32, #tpu.memory_space<hbm>>
    %dma_wait3A_333 = arith.constant 0 : i32
    %dma_wait3A_334 = arith.constant 208 : i32
    %dma_wait3A_335 = arith.constant 0 : i32
    %dma_wait3A_336 = tpu.memref_slice %arg3[%dma_wait3A_333, %mul3A_2, %dma_wait3A_334, %dma_wait3A_335] : memref<2x256x224x224xf32, #tpu.memory_space<hbm>> -> memref<1x8x16x224xf32, #tpu.memory_space<hbm>>
    tpu.wait_dma2 semaphore(%arg5 : memref<!tpu.dma_semaphore, #tpu.memory_space<semaphore_mem>>) src(%arg4 : memref<1x8x16x224xf32, #tpu.memory_space<vmem>>) dst(%dma_wait3A_336 : memref<1x8x16x224xf32, #tpu.memory_space<hbm>>)
    %dma_wait3A_337 = arith.constant 1 : i32
    %dma_wait3A_338 = arith.constant 0 : i32
    %dma_wait3A_339 = arith.constant 0 : i32
    %dma_wait3A_340 = tpu.memref_slice %arg3[%dma_wait3A_337, %mul3A_2, %dma_wait3A_338, %dma_wait3A_339] : memref<2x256x224x224xf32, #tpu.memory_space<hbm>> -> memref<1x8x16x224xf32, #tpu.memory_space<hbm>>
    %dma_wait3A_341 = arith.constant 1 : i32
    %dma_wait3A_342 = arith.constant 0 : i32
    %dma_wait3A_343 = arith.constant 0 : i32
    %dma_wait3A_344 = tpu.memref_slice %arg3[%dma_wait3A_341, %mul3A_2, %dma_wait3A_342, %dma_wait3A_343] : memref<2x256x224x224xf32, #tpu.memory_space<hbm>> -> memref<1x8x16x224xf32, #tpu.memory_space<hbm>>
    tpu.wait_dma2 semaphore(%arg5 : memref<!tpu.dma_semaphore, #tpu.memory_space<semaphore_mem>>) src(%arg4 : memref<1x8x16x224xf32, #tpu.memory_space<vmem>>) dst(%dma_wait3A_344 : memref<1x8x16x224xf32, #tpu.memory_space<hbm>>)
    %dma_wait3A_345 = arith.constant 1 : i32
    %dma_wait3A_346 = arith.constant 16 : i32
    %dma_wait3A_347 = arith.constant 0 : i32
    %dma_wait3A_348 = tpu.memref_slice %arg3[%dma_wait3A_345, %mul3A_2, %dma_wait3A_346, %dma_wait3A_347] : memref<2x256x224x224xf32, #tpu.memory_space<hbm>> -> memref<1x8x16x224xf32, #tpu.memory_space<hbm>>
    %dma_wait3A_349 = arith.constant 1 : i32
    %dma_wait3A_350 = arith.constant 16 : i32
    %dma_wait3A_351 = arith.constant 0 : i32
    %dma_wait3A_352 = tpu.memref_slice %arg3[%dma_wait3A_349, %mul3A_2, %dma_wait3A_350, %dma_wait3A_351] : memref<2x256x224x224xf32, #tpu.memory_space<hbm>> -> memref<1x8x16x224xf32, #tpu.memory_space<hbm>>
    tpu.wait_dma2 semaphore(%arg5 : memref<!tpu.dma_semaphore, #tpu.memory_space<semaphore_mem>>) src(%arg4 : memref<1x8x16x224xf32, #tpu.memory_space<vmem>>) dst(%dma_wait3A_352 : memref<1x8x16x224xf32, #tpu.memory_space<hbm>>)
    %dma_wait3A_353 = arith.constant 1 : i32
    %dma_wait3A_354 = arith.constant 32 : i32
    %dma_wait3A_355 = arith.constant 0 : i32
    %dma_wait3A_356 = tpu.memref_slice %arg3[%dma_wait3A_353, %mul3A_2, %dma_wait3A_354, %dma_wait3A_355] : memref<2x256x224x224xf32, #tpu.memory_space<hbm>> -> memref<1x8x16x224xf32, #tpu.memory_space<hbm>>
    %dma_wait3A_357 = arith.constant 1 : i32
    %dma_wait3A_358 = arith.constant 32 : i32
    %dma_wait3A_359 = arith.constant 0 : i32
    %dma_wait3A_360 = tpu.memref_slice %arg3[%dma_wait3A_357, %mul3A_2, %dma_wait3A_358, %dma_wait3A_359] : memref<2x256x224x224xf32, #tpu.memory_space<hbm>> -> memref<1x8x16x224xf32, #tpu.memory_space<hbm>>
    tpu.wait_dma2 semaphore(%arg5 : memref<!tpu.dma_semaphore, #tpu.memory_space<semaphore_mem>>) src(%arg4 : memref<1x8x16x224xf32, #tpu.memory_space<vmem>>) dst(%dma_wait3A_360 : memref<1x8x16x224xf32, #tpu.memory_space<hbm>>)
    %dma_wait3A_361 = arith.constant 1 : i32
    %dma_wait3A_362 = arith.constant 48 : i32
    %dma_wait3A_363 = arith.constant 0 : i32
    %dma_wait3A_364 = tpu.memref_slice %arg3[%dma_wait3A_361, %mul3A_2, %dma_wait3A_362, %dma_wait3A_363] : memref<2x256x224x224xf32, #tpu.memory_space<hbm>> -> memref<1x8x16x224xf32, #tpu.memory_space<hbm>>
    %dma_wait3A_365 = arith.constant 1 : i32
    %dma_wait3A_366 = arith.constant 48 : i32
    %dma_wait3A_367 = arith.constant 0 : i32
    %dma_wait3A_368 = tpu.memref_slice %arg3[%dma_wait3A_365, %mul3A_2, %dma_wait3A_366, %dma_wait3A_367] : memref<2x256x224x224xf32, #tpu.memory_space<hbm>> -> memref<1x8x16x224xf32, #tpu.memory_space<hbm>>
    tpu.wait_dma2 semaphore(%arg5 : memref<!tpu.dma_semaphore, #tpu.memory_space<semaphore_mem>>) src(%arg4 : memref<1x8x16x224xf32, #tpu.memory_space<vmem>>) dst(%dma_wait3A_368 : memref<1x8x16x224xf32, #tpu.memory_space<hbm>>)
    %dma_wait3A_369 = arith.constant 1 : i32
    %dma_wait3A_370 = arith.constant 64 : i32
    %dma_wait3A_371 = arith.constant 0 : i32
    %dma_wait3A_372 = tpu.memref_slice %arg3[%dma_wait3A_369, %mul3A_2, %dma_wait3A_370, %dma_wait3A_371] : memref<2x256x224x224xf32, #tpu.memory_space<hbm>> -> memref<1x8x16x224xf32, #tpu.memory_space<hbm>>
    %dma_wait3A_373 = arith.constant 1 : i32
    %dma_wait3A_374 = arith.constant 64 : i32
    %dma_wait3A_375 = arith.constant 0 : i32
    %dma_wait3A_376 = tpu.memref_slice %arg3[%dma_wait3A_373, %mul3A_2, %dma_wait3A_374, %dma_wait3A_375] : memref<2x256x224x224xf32, #tpu.memory_space<hbm>> -> memref<1x8x16x224xf32, #tpu.memory_space<hbm>>
    tpu.wait_dma2 semaphore(%arg5 : memref<!tpu.dma_semaphore, #tpu.memory_space<semaphore_mem>>) src(%arg4 : memref<1x8x16x224xf32, #tpu.memory_space<vmem>>) dst(%dma_wait3A_376 : memref<1x8x16x224xf32, #tpu.memory_space<hbm>>)
    %dma_wait3A_377 = arith.constant 1 : i32
    %dma_wait3A_378 = arith.constant 80 : i32
    %dma_wait3A_379 = arith.constant 0 : i32
    %dma_wait3A_380 = tpu.memref_slice %arg3[%dma_wait3A_377, %mul3A_2, %dma_wait3A_378, %dma_wait3A_379] : memref<2x256x224x224xf32, #tpu.memory_space<hbm>> -> memref<1x8x16x224xf32, #tpu.memory_space<hbm>>
    %dma_wait3A_381 = arith.constant 1 : i32
    %dma_wait3A_382 = arith.constant 80 : i32
    %dma_wait3A_383 = arith.constant 0 : i32
    %dma_wait3A_384 = tpu.memref_slice %arg3[%dma_wait3A_381, %mul3A_2, %dma_wait3A_382, %dma_wait3A_383] : memref<2x256x224x224xf32, #tpu.memory_space<hbm>> -> memref<1x8x16x224xf32, #tpu.memory_space<hbm>>
    tpu.wait_dma2 semaphore(%arg5 : memref<!tpu.dma_semaphore, #tpu.memory_space<semaphore_mem>>) src(%arg4 : memref<1x8x16x224xf32, #tpu.memory_space<vmem>>) dst(%dma_wait3A_384 : memref<1x8x16x224xf32, #tpu.memory_space<hbm>>)
    %dma_wait3A_385 = arith.constant 1 : i32
    %dma_wait3A_386 = arith.constant 96 : i32
    %dma_wait3A_387 = arith.constant 0 : i32
    %dma_wait3A_388 = tpu.memref_slice %arg3[%dma_wait3A_385, %mul3A_2, %dma_wait3A_386, %dma_wait3A_387] : memref<2x256x224x224xf32, #tpu.memory_space<hbm>> -> memref<1x8x16x224xf32, #tpu.memory_space<hbm>>
    %dma_wait3A_389 = arith.constant 1 : i32
    %dma_wait3A_390 = arith.constant 96 : i32
    %dma_wait3A_391 = arith.constant 0 : i32
    %dma_wait3A_392 = tpu.memref_slice %arg3[%dma_wait3A_389, %mul3A_2, %dma_wait3A_390, %dma_wait3A_391] : memref<2x256x224x224xf32, #tpu.memory_space<hbm>> -> memref<1x8x16x224xf32, #tpu.memory_space<hbm>>
    tpu.wait_dma2 semaphore(%arg5 : memref<!tpu.dma_semaphore, #tpu.memory_space<semaphore_mem>>) src(%arg4 : memref<1x8x16x224xf32, #tpu.memory_space<vmem>>) dst(%dma_wait3A_392 : memref<1x8x16x224xf32, #tpu.memory_space<hbm>>)
    %dma_wait3A_393 = arith.constant 1 : i32
    %dma_wait3A_394 = arith.constant 112 : i32
    %dma_wait3A_395 = arith.constant 0 : i32
    %dma_wait3A_396 = tpu.memref_slice %arg3[%dma_wait3A_393, %mul3A_2, %dma_wait3A_394, %dma_wait3A_395] : memref<2x256x224x224xf32, #tpu.memory_space<hbm>> -> memref<1x8x16x224xf32, #tpu.memory_space<hbm>>
    %dma_wait3A_397 = arith.constant 1 : i32
    %dma_wait3A_398 = arith.constant 112 : i32
    %dma_wait3A_399 = arith.constant 0 : i32
    %dma_wait3A_400 = tpu.memref_slice %arg3[%dma_wait3A_397, %mul3A_2, %dma_wait3A_398, %dma_wait3A_399] : memref<2x256x224x224xf32, #tpu.memory_space<hbm>> -> memref<1x8x16x224xf32, #tpu.memory_space<hbm>>
    tpu.wait_dma2 semaphore(%arg5 : memref<!tpu.dma_semaphore, #tpu.memory_space<semaphore_mem>>) src(%arg4 : memref<1x8x16x224xf32, #tpu.memory_space<vmem>>) dst(%dma_wait3A_400 : memref<1x8x16x224xf32, #tpu.memory_space<hbm>>)
    %dma_wait3A_401 = arith.constant 1 : i32
    %dma_wait3A_402 = arith.constant 128 : i32
    %dma_wait3A_403 = arith.constant 0 : i32
    %dma_wait3A_404 = tpu.memref_slice %arg3[%dma_wait3A_401, %mul3A_2, %dma_wait3A_402, %dma_wait3A_403] : memref<2x256x224x224xf32, #tpu.memory_space<hbm>> -> memref<1x8x16x224xf32, #tpu.memory_space<hbm>>
    %dma_wait3A_405 = arith.constant 1 : i32
    %dma_wait3A_406 = arith.constant 128 : i32
    %dma_wait3A_407 = arith.constant 0 : i32
    %dma_wait3A_408 = tpu.memref_slice %arg3[%dma_wait3A_405, %mul3A_2, %dma_wait3A_406, %dma_wait3A_407] : memref<2x256x224x224xf32, #tpu.memory_space<hbm>> -> memref<1x8x16x224xf32, #tpu.memory_space<hbm>>
    tpu.wait_dma2 semaphore(%arg5 : memref<!tpu.dma_semaphore, #tpu.memory_space<semaphore_mem>>) src(%arg4 : memref<1x8x16x224xf32, #tpu.memory_space<vmem>>) dst(%dma_wait3A_408 : memref<1x8x16x224xf32, #tpu.memory_space<hbm>>)
    %dma_wait3A_409 = arith.constant 1 : i32
    %dma_wait3A_410 = arith.constant 144 : i32
    %dma_wait3A_411 = arith.constant 0 : i32
    %dma_wait3A_412 = tpu.memref_slice %arg3[%dma_wait3A_409, %mul3A_2, %dma_wait3A_410, %dma_wait3A_411] : memref<2x256x224x224xf32, #tpu.memory_space<hbm>> -> memref<1x8x16x224xf32, #tpu.memory_space<hbm>>
    %dma_wait3A_413 = arith.constant 1 : i32
    %dma_wait3A_414 = arith.constant 144 : i32
    %dma_wait3A_415 = arith.constant 0 : i32
    %dma_wait3A_416 = tpu.memref_slice %arg3[%dma_wait3A_413, %mul3A_2, %dma_wait3A_414, %dma_wait3A_415] : memref<2x256x224x224xf32, #tpu.memory_space<hbm>> -> memref<1x8x16x224xf32, #tpu.memory_space<hbm>>
    tpu.wait_dma2 semaphore(%arg5 : memref<!tpu.dma_semaphore, #tpu.memory_space<semaphore_mem>>) src(%arg4 : memref<1x8x16x224xf32, #tpu.memory_space<vmem>>) dst(%dma_wait3A_416 : memref<1x8x16x224xf32, #tpu.memory_space<hbm>>)
    %dma_wait3A_417 = arith.constant 1 : i32
    %dma_wait3A_418 = arith.constant 160 : i32
    %dma_wait3A_419 = arith.constant 0 : i32
    %dma_wait3A_420 = tpu.memref_slice %arg3[%dma_wait3A_417, %mul3A_2, %dma_wait3A_418, %dma_wait3A_419] : memref<2x256x224x224xf32, #tpu.memory_space<hbm>> -> memref<1x8x16x224xf32, #tpu.memory_space<hbm>>
    %dma_wait3A_421 = arith.constant 1 : i32
    %dma_wait3A_422 = arith.constant 160 : i32
    %dma_wait3A_423 = arith.constant 0 : i32
    %dma_wait3A_424 = tpu.memref_slice %arg3[%dma_wait3A_421, %mul3A_2, %dma_wait3A_422, %dma_wait3A_423] : memref<2x256x224x224xf32, #tpu.memory_space<hbm>> -> memref<1x8x16x224xf32, #tpu.memory_space<hbm>>
    tpu.wait_dma2 semaphore(%arg5 : memref<!tpu.dma_semaphore, #tpu.memory_space<semaphore_mem>>) src(%arg4 : memref<1x8x16x224xf32, #tpu.memory_space<vmem>>) dst(%dma_wait3A_424 : memref<1x8x16x224xf32, #tpu.memory_space<hbm>>)
    %dma_wait3A_425 = arith.constant 1 : i32
    %dma_wait3A_426 = arith.constant 176 : i32
    %dma_wait3A_427 = arith.constant 0 : i32
    %dma_wait3A_428 = tpu.memref_slice %arg3[%dma_wait3A_425, %mul3A_2, %dma_wait3A_426, %dma_wait3A_427] : memref<2x256x224x224xf32, #tpu.memory_space<hbm>> -> memref<1x8x16x224xf32, #tpu.memory_space<hbm>>
    %dma_wait3A_429 = arith.constant 1 : i32
    %dma_wait3A_430 = arith.constant 176 : i32
    %dma_wait3A_431 = arith.constant 0 : i32
    %dma_wait3A_432 = tpu.memref_slice %arg3[%dma_wait3A_429, %mul3A_2, %dma_wait3A_430, %dma_wait3A_431] : memref<2x256x224x224xf32, #tpu.memory_space<hbm>> -> memref<1x8x16x224xf32, #tpu.memory_space<hbm>>
    tpu.wait_dma2 semaphore(%arg5 : memref<!tpu.dma_semaphore, #tpu.memory_space<semaphore_mem>>) src(%arg4 : memref<1x8x16x224xf32, #tpu.memory_space<vmem>>) dst(%dma_wait3A_432 : memref<1x8x16x224xf32, #tpu.memory_space<hbm>>)
    %dma_wait3A_433 = arith.constant 1 : i32
    %dma_wait3A_434 = arith.constant 192 : i32
    %dma_wait3A_435 = arith.constant 0 : i32
    %dma_wait3A_436 = tpu.memref_slice %arg3[%dma_wait3A_433, %mul3A_2, %dma_wait3A_434, %dma_wait3A_435] : memref<2x256x224x224xf32, #tpu.memory_space<hbm>> -> memref<1x8x16x224xf32, #tpu.memory_space<hbm>>
    %dma_wait3A_437 = arith.constant 1 : i32
    %dma_wait3A_438 = arith.constant 192 : i32
    %dma_wait3A_439 = arith.constant 0 : i32
    %dma_wait3A_440 = tpu.memref_slice %arg3[%dma_wait3A_437, %mul3A_2, %dma_wait3A_438, %dma_wait3A_439] : memref<2x256x224x224xf32, #tpu.memory_space<hbm>> -> memref<1x8x16x224xf32, #tpu.memory_space<hbm>>
    tpu.wait_dma2 semaphore(%arg5 : memref<!tpu.dma_semaphore, #tpu.memory_space<semaphore_mem>>) src(%arg4 : memref<1x8x16x224xf32, #tpu.memory_space<vmem>>) dst(%dma_wait3A_440 : memref<1x8x16x224xf32, #tpu.memory_space<hbm>>)
    %dma_wait3A_441 = arith.constant 1 : i32
    %dma_wait3A_442 = arith.constant 208 : i32
    %dma_wait3A_443 = arith.constant 0 : i32
    %dma_wait3A_444 = tpu.memref_slice %arg3[%dma_wait3A_441, %mul3A_2, %dma_wait3A_442, %dma_wait3A_443] : memref<2x256x224x224xf32, #tpu.memory_space<hbm>> -> memref<1x8x16x224xf32, #tpu.memory_space<hbm>>
    %dma_wait3A_445 = arith.constant 1 : i32
    %dma_wait3A_446 = arith.constant 208 : i32
    %dma_wait3A_447 = arith.constant 0 : i32
    %dma_wait3A_448 = tpu.memref_slice %arg3[%dma_wait3A_445, %mul3A_2, %dma_wait3A_446, %dma_wait3A_447] : memref<2x256x224x224xf32, #tpu.memory_space<hbm>> -> memref<1x8x16x224xf32, #tpu.memory_space<hbm>>
    tpu.wait_dma2 semaphore(%arg5 : memref<!tpu.dma_semaphore, #tpu.memory_space<semaphore_mem>>) src(%arg4 : memref<1x8x16x224xf32, #tpu.memory_space<vmem>>) dst(%dma_wait3A_448 : memref<1x8x16x224xf32, #tpu.memory_space<hbm>>)
    return
  }
}

module attributes {stable_mosaic.version = 14 : i64} {
  func.func @_seed_body(%arg0: i32, %arg1: memref<1xi32, #tpu.memory_space<smem>>, %arg2: memref<1x256x1xf32, #tpu.memory_space<vmem>>, %arg3: memref<1x256x16x224xf32, #tpu.memory_space<vmem>>) attributes {dimension_semantics = [#tpu.dimension_semantics<arbitrary>], iteration_bounds = array<i64: 1>, scalar_prefetch = 1 : i64, scratch_operands = 0 : i64, tpu.core_type = #tpu.core_type<tc>, window_params = [{transform_indices = @transform_0, window_bounds = array<i64: 1, 256, 1>}, {pipeline_mode = #tpu.pipeline_mode<synchronous>, transform_indices = @transform_1, window_bounds = array<i64: 1, 256, 16, 224>}]} {
    %get3A = arith.constant 0 : index
    %get3A_0 = arith.constant 0 : index
    %get3A_1 = arith.constant 0 : index
    %get3A_2 = vector.load %arg2[%get3A, %get3A_0, %get3A_1] : memref<1x256x1xf32, #tpu.memory_space<vmem>>, vector<1x256x1xf32>
    %get3A_3 = vector.shape_cast %get3A_2 : vector<1x256x1xf32> to vector<256x1xf32>
    %broadcast_in_dim3A = vector.shape_cast %get3A_3 : vector<256x1xf32> to vector<1x256x1x1xf32>
    %broadcast_in_dim3A_4 = vector.broadcast %broadcast_in_dim3A : vector<1x256x1x1xf32> to vector<1x256x16x224xf32>
    %swap3A = arith.constant 0 : index
    %swap3A_5 = arith.constant 0 : index
    %swap3A_6 = arith.constant 0 : index
    %swap3A_7 = arith.constant 0 : index
    %swap3A_8 = vector.load %arg3[%swap3A, %swap3A_5, %swap3A_6, %swap3A_7] : memref<1x256x16x224xf32, #tpu.memory_space<vmem>>, vector<1x256x16x224xf32>
    tpu.vector_store %arg3[%swap3A, %swap3A_5, %swap3A_6, %swap3A_7], %broadcast_in_dim3A_4 {strides = array<i32>} : memref<1x256x16x224xf32, #tpu.memory_space<vmem>>, vector<1x256x16x224xf32>,
    return
  }
  func.func @transform_0(%arg0: i32, %arg1: memref<1xi32, #tpu.memory_space<smem>>) -> (i32, i32, i32) {
    %get3A = arith.constant 0 : index
    %get3A_0 = memref.load %arg1[%get3A] : memref<1xi32, #tpu.memory_space<smem>>
    %c0_i32 = arith.constant 0 : i32
    %c0_i32_1 = arith.constant 0 : i32
    %c0_i32_2 = arith.constant 0 : i32
    return %get3A_0, %c0_i32, %c0_i32_1 : i32, i32, i32
  }
  func.func @transform_1(%arg0: i32, %arg1: memref<1xi32, #tpu.memory_space<smem>>) -> (i32, i32, i32, i32) {
    %c0_i32 = arith.constant 0 : i32
    %c0_i32_0 = arith.constant 0 : i32
    %c0_i32_1 = arith.constant 0 : i32
    %c0_i32_2 = arith.constant 0 : i32
    %c0_i32_3 = arith.constant 0 : i32
    return %c0_i32, %c0_i32_0, %c0_i32_1, %c0_i32_2 : i32, i32, i32, i32
  }
}

</mosaic_0001>

<sc_bundles>
// kernel: kernel.4.cloned.1.call-start
scs
__scs_entry_jumppad:
0x0: {  	(pc) =	sbr.rel $0x88, $3  }
0x1: {  	(tag) =	ssettag $0x0;
	lr =	simm.s32 $0x1  }
0x2: {  	[smem:$0x3F9F] =	sst lr;
	_ =	strace $0xD0000000  }
0x3: {  	_ = 	snop  }
0x4: {  	_ = 	snop  }
0x5: {  	_ = 	snop  }
0x6: {  	_ = 	snop  }
0x7: {  	_ = 	snop  }
__scs_overlays_trampoline_lowered:
0x8: {  	[smem:$0x3FAE] =	sst s0  }
0x9: {  	[smem:$0x3FAF] =	sst s1  }
0xa: {  	[smem:$0x3FB0] =	sst s2  }
0xb: {  	[smem:$0x3FB1] =	sst s3  }
0xc: {  	[smem:$0x3FB2] =	sst s4  }
0xd: {  	[smem:$0x3FB3] =	sst s5  }
0xe: {  	[smem:$0x3FB4] =	sst s6  }
0xf: {  	[smem:$0x3FB5] =	sst s7  }
0x10: {  	[smem:$0x3FB6] =	sst s8  }
0x11: {  	[smem:$0x3FB7] =	sst s9;
	s0 =	simm.s32 @!p0 $0x0  }
0x12: {  	s1 =	sld [smem:$0x3F9D];
	s0 =	simm.s32 @p0 $0x1  }
0x13: {  	[smem:$0x3FB8] =	sst s0;
	s0 =	simm.s32 @!p1 $0x0  }
0x14: {  	s2 =	sld [smem:$0x3F9C];
	s0 =	simm.s32 @p1 $0x1  }
0x15: {  	[smem:$0x3FB9] =	sst s0;
	s0 =	simm.s32 @!p2 $0x0  }
0x16: {  	s3 =	sld [smem:$0x3FDB];
	s0 =	simm.s32 @p2 $0x1  }
0x17: {  	s4 =	simm.s32 $0x1BF5;
	[smem:$0x3FBB] =	sst s0  }
0x18: {  	s0 =	sld [smem:$0x3F9E];
	_ =	swait.ge [sflag:s4], $0x0  }
0x19: {  	s7 =	sld [smem:$0x3F9F]  }
0x1a: {  	s8 =	sadd.s32 $0xFFFFE003, lr  }
0x1b: {  	s9 =	sadd.s32 $0xFFFFFEF7, lr;
	s5 =	simm.s32 $0xFFFFFFFF;
	p2 =	slt.u32 s8, $0xFFFFF086  }
0x1c: {  	p1 =	slt.u32 s9, $0xF7A;
	s5 =	simm.s32 @!p2 $0x0  }
0x1d: {  	s5 =	simm.s32 @p1 $0x1;
	p0 =	seq.s32 s7, s2  }
0x1e: {  	s7 =	smul.u32 @!p0 $0xF7A, s2;
	p2 =	seq.s32 @!p0 s5, $0x0  }
0x1f: {  	s9 =	smul.u32 $0xF7A, s1;
	s8 =	simm.s32 @!p0 $0x1BF5;
	p2 =	por !p2, p0  }
0x20: {  	[sflag:s8] =	ssyncset.s32 @!p0 $0xFFFFF086;
	s6 =	sadd.s32 @!p0 s3, s7;
	s7 =	simm.s32 @!p0 $0x108  }
0x21: {  	s3 =	sadd.s32 s3, s9;
	s6 =	sadd.s32 @!p0 $0x88, s6;
	s7 =	simm.s32 @p2 $0x1082  }
0x22: {  	[simem:s7], [sflag:s8] =	dma.local @!p0 [hbm:s6], $0xF7A  }
0x23: {  	s9 =	sor.u32 $0xD0000000, s2;
	s6 =	simm.s32 $0x108;
	_ =	swait.ge @!p0 [sflag:s8], $0x0  }
0x24: {  	s3 =	sadd.s32 $0x88, s3;
	s6 =	simm.s32 @!p1 $0x1082;
	[sflag:s4] =	ssyncset.s32 $0xFFFFF086  }
0x25: {  	[simem:s6], [sflag:s4] =	dma.local [hbm:s3], $0xF7A  }
0x26: {  	[smem:$0x3F9F] =	sst s1;
	(tag) =	ssettag s2;
	_ =	strace s9  }
0x27: {  	s1 =	sld [smem:$0x3FAF]  }
0x28: {  	s2 =	sld [smem:$0x3FB0]  }
0x29: {  	s4 =	sld [smem:$0x3FB2]  }
0x2a: {  	p0 =	seq.s32 s5, $0x0;
	s5 =	sld [smem:$0x3FB3]  }
0x2b: {  	s6 =	sld [smem:$0x3FB4]  }
0x2c: {  	s7 =	sld [smem:$0x3FB5]  }
0x2d: {  	s3 =	simm.s32 $0x108;
	s8 =	sld [smem:$0x3FB6]  }
0x2e: {  	s3 =	simm.s32 @!p0 $0x1082;
	s9 =	sld [smem:$0x3FB7]  }
0x2f: {  	lr =	sadd.s32 s0, s3;
	s0 =	sld [smem:$0x3FAE]  }
0x30: {  	s3 =	sld [smem:$0x3FB1]  }
0x31: {  	[smem:$0x3FBA] =	sst s10  }
0x32: {  	s10 =	sld [smem:$0x3FB8];
	_ =	sdelay $0x3  }
0x33: {  	p0 =	seq.s32 s10, $0x1;
	s10 =	sld [smem:$0x3FBA];
	_ =	sdelay $0x3  }
0x34: {  	[smem:$0x3FBA] =	sst s10  }
0x35: {  	s10 =	sld [smem:$0x3FB9];
	_ =	sdelay $0x3  }
0x36: {  	p1 =	seq.s32 s10, $0x1;
	s10 =	sld [smem:$0x3FBA];
	_ =	sdelay $0x3  }
0x37: {  	[smem:$0x3FBA] =	sst s10  }
0x38: {  	s10 =	sld [smem:$0x3FBB]  }
0x39: {  	_ = 	snop;
	(pc) =	sbr.ind lr, $3  }
0x3a: {  	_ = 	snop  }
0x3b: {  	_ = 	snop  }
0x3c: {  	p2 =	seq.s32 s10, $0x1;
	s10 =	sld [smem:$0x3FBA]  }
0x3d: {  	_ =	shalt  }
0x3e: {  	_ =	shalt  }
0x3f: {  	_ =	shalt  }
0x40: {  	_ =	shalt  }
0x41: {  	_ =	shalt  }
0x42: {  	_ =	shalt  }
0x43: {  	_ =	shalt  }
0x44: {  	_ =	shalt  }
0x45: {  	_ =	shalt  }
0x46: {  	_ =	shalt  }
0x47: {  	_ =	shalt  }
0x48: {  	_ =	shalt  }
0x49: {  	_ =	shalt  }
0x4a: {  	_ =	shalt  }
0x4b: {  	_ =	shalt  }
0x4c: {  	_ =	shalt  }
0x4d: {  	_ =	shalt  }
0x4e: {  	_ =	shalt  }
0x4f: {  	_ =	shalt  }
0x50: {  	_ =	shalt  }
0x51: {  	_ =	shalt  }
0x52: {  	_ =	shalt  }
0x53: {  	_ =	shalt  }
0x54: {  	_ =	shalt  }
0x55: {  	_ =	shalt  }
0x56: {  	_ =	shalt  }
0x57: {  	_ =	shalt  }
0x58: {  	_ =	shalt  }
0x59: {  	_ =	shalt  }
0x5a: {  	_ =	shalt  }
0x5b: {  	_ =	shalt  }
0x5c: {  	_ =	shalt  }
0x5d: {  	_ =	shalt  }
0x5e: {  	_ =	shalt  }
0x5f: {  	_ =	shalt  }
0x60: {  	_ =	shalt  }
0x61: {  	_ =	shalt  }
0x62: {  	_ =	shalt  }
0x63: {  	_ =	shalt  }
0x64: {  	_ =	shalt  }
0x65: {  	_ =	shalt  }
0x66: {  	_ =	shalt  }
0x67: {  	_ =	shalt  }
0x68: {  	_ =	shalt  }
0x69: {  	_ =	shalt  }
0x6a: {  	_ =	shalt  }
0x6b: {  	_ =	shalt  }
0x6c: {  	_ =	shalt  }
0x6d: {  	_ =	shalt  }
0x6e: {  	_ =	shalt  }
0x6f: {  	_ =	shalt  }
0x70: {  	_ =	shalt  }
0x71: {  	_ =	shalt  }
0x72: {  	_ =	shalt  }
0x73: {  	_ =	shalt  }
0x74: {  	_ =	shalt  }
0x75: {  	_ =	shalt  }
0x76: {  	_ =	shalt  }
0x77: {  	_ =	shalt  }
0x78: {  	_ =	shalt  }
0x79: {  	_ =	shalt  }
0x7a: {  	_ =	shalt  }
0x7b: {  	_ =	shalt  }
0x7c: {  	_ =	shalt  }
0x7d: {  	_ =	shalt  }
0x7e: {  	_ =	shalt  }
0x7f: {  	_ =	shalt  }
0x80: {  	_ =	shalt  }
0x81: {  	_ =	shalt  }
0x82: {  	_ =	shalt  }
0x83: {  	_ =	shalt  }
0x84: {  	_ =	shalt  }
0x85: {  	_ =	shalt  }
0x86: {  	_ =	shalt  }
0x87: {  	_ =	shalt  }
.Lfunc_end0:
.L_simem_size_0:
called_computation_lowered:
.L_overlay_start_0:
0x88: {  	s2 =	sld [smem:$0x3FD9]  }
0x89: {  	s3 =	sld [smem:$0x3FFE];
	_ =	sdelay $0x1  }
0x8a: {  	s1 =	srdreg.scid  }
0x8b: {  	s0 =	sand.u32 $0x1, s1  }
0x8c: {  	s17 =	sshll.u32 s0, $0xA;
	s2 =	sadd.s32 s3, s2  }
0x8d: {  	s2 =	sadd.s32 s2, s17  }
0x8e: {  	[smem:$0x3FC6] =	sst s2  }
0x8f: {  	_ = 	snop  }
0x90: {  	s2 =	sld [smem:$0x3FD0];
	(tm) =	ssettm $0x1  }
0x91: {  	s18 =	sld [smem:$0x3FFB];
	_ =	sdelay $0x3  }
0x92: {  	_ =	strace s18  }
0x93: {  	s3 =	sld [smem:$0x3FFC];
	_ =	sdelay $0x3  }
0x94: {  	_ =	strace s3  }
0x95: {  	s3 =	sld [smem:$0x3FFD];
	_ =	sdelay $0x3  }
0x96: {  	_ =	strace s3  }
0x97: {  	_ =	strace $0x8FFFFFFF  }
0x98: {  	s19 =	sld [smem:$0x3FDB];
	_ =	sdelay $0x1  }
0x99: {  	s4 =	simm.s32 $_scs_section_size  }
0x9a: {  	s5 =	simm.s32 $_size__tile_overlayer_lowered;
	s6 =	simm.s32 $_tile_overlayer_lowered  }
0x9b: {  	s22 =	simm.s32 $0x1BFF;
	s21 =	sshll.u32 s6, $0x1;
	s3 =	sadd.s32 s4, s19  }
0x9c: {  	s7 =	simm.s32 $0x0;
	s20 =	sshll.u32 s5, $0x1;
	s5 =	sadd.s32 s21, s3  }
0x9d: {  	[timem:s7], [sflag:s22] =	dma.local [hbm:s5], s20  }
0x9e: {  	_ =	swait.ge [sflag:s22], s20  }
0x9f: {  	s4 =	ssub.s32 $0x0, s20;
	[sflag:s22] =	ssyncset.done $0x0  }
0xa0: {  	[sflag:s22] =	ssyncadd.s32 s4;
	_ =	sdelay $0x1  }
0xa1: {  	s23 =	simm.s32 $0x1B8B  }
0xa2: {  	_ =	swait.ge [sflag:s23], $0x1  }
0xa3: {  	[sflag:s23] =	ssyncset.done $0x0  }
0xa4: {  	s25 =	simm.s32 $0x1B8E;
	s24 =	sld [smem:$0x3FFE];
	[sflag:s23] =	ssyncadd.s32 $0xFFFFFFFF  }
0xa5: {  	s26 =	simm.s32 $execute0_lowered;
	[smem:$0x3FD2] =	sst s25  }
0xa6: {  	s5 =	sshll.u32 s26, $0x1;
	_ =	strace $0x80000046;
	[dreg:$0x1] =	wrdreg $0xFFFFFFFF  }
0xa7: {  	s28 =	simm.s32 $_size_execute0_lowered;
	s3 =	sadd.s32 s3, s5;
	[dreg:$0x0] =	wrdreg $0x0  }
0xa8: {  	s5 =	sshll.u32 s28, $0x1;
	[dreg:$0x2] =	wrdreg s3  }
0xa9: {  	[dreg:$0x3] =	wrdreg s5  }
0xaa: {  	[dreg:$0x4] =	wrdreg $0xC0  }
0xab: {  	_ =	task [dreg:s7], $0x5FFFF  }
0xac: {  	[dreg:$0x1] =	wrdreg $0xFFFFFFFF  }
0xad: {  	[dreg:$0x0] =	wrdreg $0x60  }
0xae: {  	[dreg:$0x2] =	wrdreg s2  }
0xaf: {  	[dreg:$0x3] =	wrdreg s24  }
0xb0: {  	[dreg:$0x4] =	wrdreg $0x9  }
0xb1: {  	_ =	task.clear_ibuf [dreg:s7], $0x5FFFF;
	_ =	strace $0x90000046  }
0xb2: {  	s29 =	simm.s32 $0x9;
	_ =	strace $0x80000048  }
0xb3: {  	_ =	swait.ge [sflag:s29], $0x1  }
0xb4: {  	[sflag:s29] =	ssyncadd.s32 $0xFFFFFFFF  }
0xb5: {  	_ =	strace $0x90000048  }
0xb6: {  	_ =	sfence  }
0xb7: {  	s30 =	sld [smem:$0x0];
	_ =	sdelay $0x2  }
0xb8: {  	s31 =	sshll.u32 s1, $0xD;
	s1 =	sshrl.u32 s1, $0x2  }
0xb9: {  	s3 =	sand.u32 $0x4000, s31;
	s1 =	sadd.s32 s1, s30  }
0xba: {  	s0 =	sor.u32 s3, s0;
	s1 =	sshll.u32 s1, $0x11  }
0xbb: {  	s0 =	sor.u32 s1, s0  }
0xbc: {  	s0 =	sadd.s32 $0x8F2B, s0  }
0xbd: {  	[sflag:s0] =	ssyncadd.remote.s32 $0x1  }
0xbe: {  	_ =	sfence.sel $0xFFFF  }
0xbf: {  	[dreg:$0x0] =	wrdreg $0xFFFFFFFF;
	(pc) =	sbr.abs _section_cstart, $3  }
0xc0: {  	[dreg:$0x1] =	wrdreg $0xFFFFFFFF  }
0xc1: {  	_ =	task.clear_ibuf [dreg:s7], $0x2FFFF;
	_ =	strace $0x9FFFFFFF  }
0xc2: {  	(tm) =	ssettm $0x7FFFFFFF  }
0xc3: {  	_ =	shalt  }
tec
execute0_lowered:
.L_overlay_start_1:
0x0: {  	(tag) =	ssettag $0x1  }
0x1: {  	s0 =	srdreg.scid;
	s4 =	rddreg [dreg:$0x0]  }
0x2: {  	s1 =	stileid.u32;
	s21 =	rddreg [dreg:$0x1];
	s3 =	simm.s32 $0x0  }
0x3: {  	p0 =	por $0x0, $0x0;
	s31 =	simm.s32 $0x2;
	s0 =	sand.u32 $0x1, s0  }
0x4: {  	s1 =	sshll.u32 s1, $0x4;
	s2 =	sshll.u32 s0, $0x3;
	s0 =	ssub.s32 $0x2, s0  }
0x5: {  	[smem:$0x7FF] =	sst s3;
	s1 =	sor.u32 s2, s1;
	s23 =	sshrl.u32 s0, $0x1  }
0x6: {  	s5 =	smul.u32 $0xE000, s1;
	s1 =	sshll.u32 s1, $0x9;
	s0 =	ssub.s32 s0, s23  }
0x7: {  	_ =	strace $0x80000047;
	s1 =	sadd.s32 s4, s1;
	s0 =	smax.u32 s0, $0x1  }
0x8: {  	s5 =	sshrl.u32 s5, $0x3;
	[dreg:$0x3] =	wrdreg s1;
	p1 =	sne.s32 s0, $0x1  }
0x9: {  	s1 =	sadd.s32 $0xFFFFFFFF, s0;
	s2 =	sadd.s32 s5, s21;
	s0 =	rddreg [dreg:$0x3]  }
0xa: {  	s22 =	sadd.s32 $0x600, s2;
	s24 =	sadd.s32 $0x800, s2;
	s12 =	sadd.s32 $0x1000, s2  }
0xb: {  	s13 =	sadd.s32 $0x1200, s2;
	s14 =	sadd.s32 $0x1400, s2;
	s9 =	sadd.s32 $0x1800, s2  }
0xc: {  	s5 =	sadd.s32 $0x1C00, s2;
	s6 =	sadd.s32 $0x1E00, s2;
	s4 =	sadd.s32 $0x1C0600, s2  }
0xd: {  	s25 =	sadd.s32 $0xA00, s2;
	s7 =	sadd.s32 $0x1C0800, s2;
	s8 =	sadd.s32 $0x1C0A00, s2  }
0xe: {  	s26 =	sadd.s32 $0xC00, s2;
	s10 =	sadd.s32 $0x1C0C00, s2;
	s11 =	sadd.s32 $0x1C0E00, s2  }
0xf: {  	s28 =	sadd.s32 $0xE00, s2;
	s15 =	sadd.s32 $0x1C1000, s2;
	s16 =	sadd.s32 $0x1C1200, s2  }
0x10: {  	s29 =	sadd.s32 $0x1600, s2;
	s17 =	sadd.s32 $0x1C1400, s2;
	s18 =	sadd.s32 $0x1C1600, s2  }
.Ltmp0:
0x11: {  	s30 =	sadd.s32 $0x1A00, s2;
	[dreg:$0x4] =	wrdreg s22;
	(pc) =	sbr.rel @!p1 .LBB2_3-.Ltmp0, $4  }
0x12: {  	s19 =	sadd.s32 $0x1C1800, s2;
	s20 =	sadd.s32 $0x1C1A00, s2;
	[dreg:$0x5] =	wrdreg s24  }
0x13: {  	s21 =	sadd.s32 $0x1C1C00, s2;
	s23 =	sadd.s32 $0x1C2000, s2;
	[dreg:$0x6] =	wrdreg s25  }
0x14: {  	[dreg:$0x7] =	wrdreg s26;
	s24 =	sadd.s32 $0x2000, s2;
	s22 =	sadd.s32 $0x1C1E00, s2  }
0x15: {  	s25 =	simm.s32 $0x1000;
	s26 =	simm.s32 $0xE000;
	s2 =	simm.s32 $0x1  }
0x16: {  	[tilespmem:s3], [sflag:$0x2] =	stream.linear.gather [hbm4b:s0+s3], $0x8000, $0x38;
	[tilespmem:$0x8000] =	vst v63  }
0x17: {  	_ =	swait.ge [sflag:s31], $0x8000  }
0x18: {  	[dreg:$0x8] =	wrdreg s1;
	[sflag:s31] =	ssyncset.done $0x0  }
0x19: {  	s0 =	rddreg [dreg:$0x4];
	[sflag:s31] =	ssyncadd.s32 $0xFFFF8000  }
0x1a: {  	[hbm4b:s0+s25] =	stream.strided.scatter [tilespmem:s3], [sflag:$0x1], $0x8000, s26, s25, $0x38;
	[tilespmem:$0x8000] =	vst v63  }
0x1b: {  	s1 =	rddreg [dreg:$0x5]  }
0x1c: {  	[hbm4b:s1+s25] =	stream.strided.scatter [tilespmem:s3], [sflag:$0x1], $0x8000, s26, s25, $0x38;
	[tilespmem:$0x8000] =	vst v63  }
0x1d: {  	s0 =	rddreg [dreg:$0x6]  }
0x1e: {  	[hbm4b:s0+s25] =	stream.strided.scatter [tilespmem:s3], [sflag:$0x1], $0x8000, s26, s25, $0x38;
	[tilespmem:$0x8000] =	vst v63  }
0x1f: {  	s1 =	rddreg [dreg:$0x7]  }
0x20: {  	[hbm4b:s1+s25] =	stream.strided.scatter [tilespmem:s3], [sflag:$0x1], $0x8000, s26, s25, $0x38;
	[tilespmem:$0x8000] =	vst v63  }
0x21: {  	_ = 	snop  }
0x22: {  	[hbm4b:s28+s25] =	stream.strided.scatter [tilespmem:s3], [sflag:$0x1], $0x8000, s26, s25, $0x38;
	[tilespmem:$0x8000] =	vst v63  }
0x23: {  	_ = 	snop  }
0x24: {  	[hbm4b:s12+s25] =	stream.strided.scatter [tilespmem:s3], [sflag:$0x1], $0x8000, s26, s25, $0x38;
	[tilespmem:$0x8000] =	vst v63  }
0x25: {  	_ = 	snop  }
0x26: {  	[hbm4b:s13+s25] =	stream.strided.scatter [tilespmem:s3], [sflag:$0x1], $0x8000, s26, s25, $0x38;
	[tilespmem:$0x8000] =	vst v63  }
0x27: {  	_ = 	snop  }
0x28: {  	[hbm4b:s14+s25] =	stream.strided.scatter [tilespmem:s3], [sflag:$0x1], $0x8000, s26, s25, $0x38;
	[tilespmem:$0x8000] =	vst v63  }
0x29: {  	_ = 	snop  }
0x2a: {  	[hbm4b:s29+s25] =	stream.strided.scatter [tilespmem:s3], [sflag:$0x1], $0x8000, s26, s25, $0x38;
	[tilespmem:$0x8000] =	vst v63  }
0x2b: {  	_ = 	snop  }
0x2c: {  	[hbm4b:s9+s25] =	stream.strided.scatter [tilespmem:s3], [sflag:$0x1], $0x8000, s26, s25, $0x38;
	[tilespmem:$0x8000] =	vst v63  }
0x2d: {  	_ = 	snop  }
0x2e: {  	[hbm4b:s30+s25] =	stream.strided.scatter [tilespmem:s3], [sflag:$0x1], $0x8000, s26, s25, $0x38;
	[tilespmem:$0x8000] =	vst v63  }
0x2f: {  	_ = 	snop  }
0x30: {  	[hbm4b:s5+s25] =	stream.strided.scatter [tilespmem:s3], [sflag:$0x1], $0x8000, s26, s25, $0x38;
	[tilespmem:$0x8000] =	vst v63  }
0x31: {  	_ = 	snop  }
0x32: {  	[hbm4b:s6+s25] =	stream.strided.scatter [tilespmem:s3], [sflag:$0x1], $0x8000, s26, s25, $0x38;
	[tilespmem:$0x8000] =	vst v63  }
0x33: {  	_ = 	snop  }
0x34: {  	[hbm4b:s24+s25] =	stream.strided.scatter [tilespmem:s3], [sflag:$0x1], $0x8000, s26, s25, $0x38;
	[tilespmem:$0x8000] =	vst v63  }
0x35: {  	_ = 	snop  }
0x36: {  	[hbm4b:s4+s25] =	stream.strided.scatter [tilespmem:s3], [sflag:$0x1], $0x8000, s26, s25, $0x38;
	[tilespmem:$0x8000] =	vst v63  }
0x37: {  	_ = 	snop  }
0x38: {  	[hbm4b:s7+s25] =	stream.strided.scatter [tilespmem:s3], [sflag:$0x1], $0x8000, s26, s25, $0x38;
	[tilespmem:$0x8000] =	vst v63  }
0x39: {  	_ = 	snop  }
0x3a: {  	[hbm4b:s8+s25] =	stream.strided.scatter [tilespmem:s3], [sflag:$0x1], $0x8000, s26, s25, $0x38;
	[tilespmem:$0x8000] =	vst v63  }
0x3b: {  	_ = 	snop  }
0x3c: {  	[hbm4b:s10+s25] =	stream.strided.scatter [tilespmem:s3], [sflag:$0x1], $0x8000, s26, s25, $0x38;
	[tilespmem:$0x8000] =	vst v63  }
0x3d: {  	_ = 	snop  }
0x3e: {  	[hbm4b:s11+s25] =	stream.strided.scatter [tilespmem:s3], [sflag:$0x1], $0x8000, s26, s25, $0x38;
	[tilespmem:$0x8000] =	vst v63  }
0x3f: {  	_ = 	snop  }
0x40: {  	[hbm4b:s15+s25] =	stream.strided.scatter [tilespmem:s3], [sflag:$0x1], $0x8000, s26, s25, $0x38;
	[tilespmem:$0x8000] =	vst v63  }
0x41: {  	_ = 	snop  }
0x42: {  	[hbm4b:s16+s25] =	stream.strided.scatter [tilespmem:s3], [sflag:$0x1], $0x8000, s26, s25, $0x38;
	[tilespmem:$0x8000] =	vst v63  }
0x43: {  	_ = 	snop  }
0x44: {  	[hbm4b:s17+s25] =	stream.strided.scatter [tilespmem:s3], [sflag:$0x1], $0x8000, s26, s25, $0x38;
	[tilespmem:$0x8000] =	vst v63  }
0x45: {  	_ = 	snop  }
0x46: {  	[hbm4b:s18+s25] =	stream.strided.scatter [tilespmem:s3], [sflag:$0x1], $0x8000, s26, s25, $0x38;
	[tilespmem:$0x8000] =	vst v63  }
0x47: {  	_ = 	snop  }
0x48: {  	[hbm4b:s19+s25] =	stream.strided.scatter [tilespmem:s3], [sflag:$0x1], $0x8000, s26, s25, $0x38;
	[tilespmem:$0x8000] =	vst v63  }
0x49: {  	_ = 	snop  }
0x4a: {  	[hbm4b:s20+s25] =	stream.strided.scatter [tilespmem:s3], [sflag:$0x1], $0x8000, s26, s25, $0x38;
	[tilespmem:$0x8000] =	vst v63  }
0x4b: {  	_ = 	snop  }
0x4c: {  	[hbm4b:s21+s25] =	stream.strided.scatter [tilespmem:s3], [sflag:$0x1], $0x8000, s26, s25, $0x38;
	[tilespmem:$0x8000] =	vst v63  }
0x4d: {  	_ = 	snop  }
0x4e: {  	[hbm4b:s22+s25] =	stream.strided.scatter [tilespmem:s3], [sflag:$0x1], $0x8000, s26, s25, $0x38;
	[tilespmem:$0x8000] =	vst v63  }
0x4f: {  	_ = 	snop  }
0x50: {  	[hbm4b:s23+s25] =	stream.strided.scatter [tilespmem:s3], [sflag:$0x1], $0x8000, s26, s25, $0x38;
	[tilespmem:$0x8000] =	vst v63  }
0x51: {  	_ =	swait.ge [sflag:s2], $0x8000  }
0x52: {  	[sflag:s2] =	ssyncset.done $0x0  }
0x53: {  	[sflag:s2] =	ssyncadd.s32 $0xFFFF8000  }
0x54: {  	_ =	swait.ge [sflag:s2], $0x8000  }
0x55: {  	[sflag:s2] =	ssyncset.done $0x0  }
0x56: {  	[sflag:s2] =	ssyncadd.s32 $0xFFFF8000  }
0x57: {  	_ =	swait.ge [sflag:s2], $0x8000  }
0x58: {  	[sflag:s2] =	ssyncset.done $0x0  }
0x59: {  	[sflag:s2] =	ssyncadd.s32 $0xFFFF8000  }
0x5a: {  	_ =	swait.ge [sflag:s2], $0x8000  }
0x5b: {  	[sflag:s2] =	ssyncset.done $0x0  }
0x5c: {  	[sflag:s2] =	ssyncadd.s32 $0xFFFF8000  }
0x5d: {  	_ =	swait.ge [sflag:s2], $0x8000  }
0x5e: {  	[sflag:s2] =	ssyncset.done $0x0  }
0x5f: {  	[sflag:s2] =	ssyncadd.s32 $0xFFFF8000  }
0x60: {  	_ =	swait.ge [sflag:s2], $0x8000  }
0x61: {  	[sflag:s2] =	ssyncset.done $0x0  }
0x62: {  	[sflag:s2] =	ssyncadd.s32 $0xFFFF8000  }
0x63: {  	_ =	swait.ge [sflag:s2], $0x8000  }
0x64: {  	[sflag:s2] =	ssyncset.done $0x0  }
0x65: {  	[sflag:s2] =	ssyncadd.s32 $0xFFFF8000  }
0x66: {  	_ =	swait.ge [sflag:s2], $0x8000  }
0x67: {  	[sflag:s2] =	ssyncset.done $0x0  }
0x68: {  	[sflag:s2] =	ssyncadd.s32 $0xFFFF8000  }
0x69: {  	_ =	swait.ge [sflag:s2], $0x8000  }
0x6a: {  	[sflag:s2] =	ssyncset.done $0x0  }
0x6b: {  	[sflag:s2] =	ssyncadd.s32 $0xFFFF8000  }
0x6c: {  	_ =	swait.ge [sflag:s2], $0x8000  }
0x6d: {  	[sflag:s2] =	ssyncset.done $0x0  }
0x6e: {  	[sflag:s2] =	ssyncadd.s32 $0xFFFF8000  }
0x6f: {  	_ =	swait.ge [sflag:s2], $0x8000  }
0x70: {  	[sflag:s2] =	ssyncset.done $0x0  }
0x71: {  	[sflag:s2] =	ssyncadd.s32 $0xFFFF8000  }
0x72: {  	_ =	swait.ge [sflag:s2], $0x8000  }
0x73: {  	[sflag:s2] =	ssyncset.done $0x0  }
0x74: {  	[sflag:s2] =	ssyncadd.s32 $0xFFFF8000  }
0x75: {  	_ =	swait.ge [sflag:s2], $0x8000  }
0x76: {  	[sflag:s2] =	ssyncset.done $0x0  }
0x77: {  	[sflag:s2] =	ssyncadd.s32 $0xFFFF8000  }
0x78: {  	_ =	swait.ge [sflag:s2], $0x8000  }
0x79: {  	[sflag:s2] =	ssyncset.done $0x0  }
0x7a: {  	[sflag:s2] =	ssyncadd.s32 $0xFFFF8000  }
0x7b: {  	_ =	swait.ge [sflag:s2], $0x8000  }
0x7c: {  	[sflag:s2] =	ssyncset.done $0x0  }
0x7d: {  	[sflag:s2] =	ssyncadd.s32 $0xFFFF8000  }
0x7e: {  	_ =	swait.ge [sflag:s2], $0x8000  }
0x7f: {  	[sflag:s2] =	ssyncset.done $0x0  }
0x80: {  	[sflag:s2] =	ssyncadd.s32 $0xFFFF8000  }
0x81: {  	_ =	swait.ge [sflag:s2], $0x8000  }
0x82: {  	[sflag:s2] =	ssyncset.done $0x0  }
0x83: {  	[sflag:s2] =	ssyncadd.s32 $0xFFFF8000  }
0x84: {  	_ =	swait.ge [sflag:s2], $0x8000  }
0x85: {  	[sflag:s2] =	ssyncset.done $0x0  }
0x86: {  	[sflag:s2] =	ssyncadd.s32 $0xFFFF8000  }
0x87: {  	_ =	swait.ge [sflag:s2], $0x8000  }
0x88: {  	[sflag:s2] =	ssyncset.done $0x0  }
0x89: {  	[sflag:s2] =	ssyncadd.s32 $0xFFFF8000  }
0x8a: {  	_ =	swait.ge [sflag:s2], $0x8000  }
0x8b: {  	[sflag:s2] =	ssyncset.done $0x0  }
0x8c: {  	[sflag:s2] =	ssyncadd.s32 $0xFFFF8000  }
0x8d: {  	_ =	swait.ge [sflag:s2], $0x8000  }
0x8e: {  	[sflag:s2] =	ssyncset.done $0x0  }
0x8f: {  	[sflag:s2] =	ssyncadd.s32 $0xFFFF8000  }
0x90: {  	_ =	swait.ge [sflag:s2], $0x8000  }
0x91: {  	[sflag:s2] =	ssyncset.done $0x0  }
0x92: {  	[sflag:s2] =	ssyncadd.s32 $0xFFFF8000  }
0x93: {  	_ =	swait.ge [sflag:s2], $0x8000  }
0x94: {  	[sflag:s2] =	ssyncset.done $0x0  }
0x95: {  	[sflag:s2] =	ssyncadd.s32 $0xFFFF8000  }
0x96: {  	_ =	swait.ge [sflag:s2], $0x8000  }
0x97: {  	[sflag:s2] =	ssyncset.done $0x0  }
0x98: {  	[sflag:s2] =	ssyncadd.s32 $0xFFFF8000  }
0x99: {  	_ =	swait.ge [sflag:s2], $0x8000  }
0x9a: {  	[sflag:s2] =	ssyncset.done $0x0  }
0x9b: {  	[sflag:s2] =	ssyncadd.s32 $0xFFFF8000  }
0x9c: {  	_ =	swait.ge [sflag:s2], $0x8000  }
0x9d: {  	[sflag:s2] =	ssyncset.done $0x0  }
0x9e: {  	[sflag:s2] =	ssyncadd.s32 $0xFFFF8000  }
0x9f: {  	_ =	swait.ge [sflag:s2], $0x8000  }
0xa0: {  	s1 =	rddreg [dreg:$0x8]  }
0xa1: {  	p1 =	sne.s32 s1, $0x1  }
.Ltmp1:
0xa2: {  	_ = 	snop;
	(pc) =	sbr.rel @!p1 .LBB2_3-.Ltmp1, $4  }
0xa3: {  	[sflag:s2] =	ssyncset.done $0x0  }
0xa4: {  	[sflag:s2] =	ssyncadd.s32 $0xFFFF8000  }
0xa5: {  	p0 =	por $0x1, $0x1;
	_ =	swait.ge [sflag:s2], $0x8000  }
0xa6: {  	s1 =	sadd.s32 $0xFFFFFFFF, s1;
	s0 =	rddreg [dreg:$0x3];
	[sflag:s2] =	ssyncset.done $0x0  }
.LBB2_2:
0xa7: {  	[sflag:s2] =	ssyncadd.s32 $0xFFFF8000  }
0xa8: {  	[tilespmem:s3], [sflag:$0x2] =	stream.linear.gather [hbm4b:s0+s3], $0x8000, $0x38;
	[tilespmem:$0x8000] =	vst v63  }
0xa9: {  	_ =	swait.ge [sflag:s31], $0x8000  }
0xaa: {  	[sflag:s31] =	ssyncset.done $0x0  }
0xab: {  	s0 =	rddreg [dreg:$0x4];
	[sflag:s31] =	ssyncadd.s32 $0xFFFF8000;
	s31 =	smov.u32 s30  }
0xac: {  	s30 =	smov.u32 s29;
	s29 =	smov.u32 s28;
	s28 =	smov.u32 s24  }
0xad: {  	s24 =	smov.u32 s23;
	s23 =	smov.u32 s22;
	s22 =	smov.u32 s21  }
0xae: {  	s21 =	smov.u32 s20;
	s20 =	smov.u32 s19;
	s19 =	smov.u32 s18  }
0xaf: {  	s18 =	smov.u32 s17;
	s17 =	smov.u32 s16;
	s16 =	smov.u32 s15  }
0xb0: {  	s15 =	smov.u32 s14;
	s14 =	smov.u32 s13;
	s13 =	smov.u32 s12  }
0xb1: {  	s12 =	smov.u32 s11;
	s11 =	smov.u32 s10;
	s10 =	smov.u32 s9  }
0xb2: {  	s9 =	smov.u32 s8;
	s8 =	smov.u32 s7;
	s7 =	smov.u32 s6  }
0xb3: {  	[hbm4b:s0+s25] =	stream.strided.scatter [tilespmem:s3], [sflag:$0x1], $0x8000, s26, s25, $0x38;
	[tilespmem:$0x8000] =	vst v63  }
0xb4: {  	s6 =	smov.u32 s5;
	s5 =	smov.u32 s4;
	s4 =	rddreg [dreg:$0x5]  }
0xb5: {  	[hbm4b:s4+s25] =	stream.strided.scatter [tilespmem:s3], [sflag:$0x1], $0x8000, s26, s25, $0x38;
	[tilespmem:$0x8000] =	vst v63  }
0xb6: {  	s0 =	rddreg [dreg:$0x6]  }
0xb7: {  	[hbm4b:s0+s25] =	stream.strided.scatter [tilespmem:s3], [sflag:$0x1], $0x8000, s26, s25, $0x38;
	[tilespmem:$0x8000] =	vst v63  }
0xb8: {  	s4 =	rddreg [dreg:$0x7]  }
0xb9: {  	[hbm4b:s4+s25] =	stream.strided.scatter [tilespmem:s3], [sflag:$0x1], $0x8000, s26, s25, $0x38;
	[tilespmem:$0x8000] =	vst v63  }
0xba: {  	s4 =	smov.u32 s5  }
0xbb: {  	s5 =	smov.u32 s6;
	s6 =	smov.u32 s7;
	s7 =	smov.u32 s8  }
0xbc: {  	s8 =	smov.u32 s9;
	s9 =	smov.u32 s10;
	s10 =	smov.u32 s11  }
0xbd: {  	s11 =	smov.u32 s12;
	s12 =	smov.u32 s13;
	s13 =	smov.u32 s14  }
0xbe: {  	s14 =	smov.u32 s15;
	s15 =	smov.u32 s16;
	s16 =	smov.u32 s17  }
0xbf: {  	s17 =	smov.u32 s18;
	s18 =	smov.u32 s19;
	s19 =	smov.u32 s20  }
0xc0: {  	s20 =	smov.u32 s21;
	s21 =	smov.u32 s22;
	s22 =	smov.u32 s23  }
0xc1: {  	s23 =	smov.u32 s24;
	s24 =	smov.u32 s28;
	s28 =	smov.u32 s29  }
0xc2: {  	[hbm4b:s28+s25] =	stream.strided.scatter [tilespmem:s3], [sflag:$0x1], $0x8000, s26, s25, $0x38;
	[tilespmem:$0x8000] =	vst v63  }
0xc3: {  	_ = 	snop  }
0xc4: {  	[hbm4b:s12+s25] =	stream.strided.scatter [tilespmem:s3], [sflag:$0x1], $0x8000, s26, s25, $0x38;
	[tilespmem:$0x8000] =	vst v63  }
0xc5: {  	_ = 	snop  }
0xc6: {  	[hbm4b:s13+s25] =	stream.strided.scatter [tilespmem:s3], [sflag:$0x1], $0x8000, s26, s25, $0x38;
	[tilespmem:$0x8000] =	vst v63  }
0xc7: {  	_ = 	snop  }
0xc8: {  	[hbm4b:s14+s25] =	stream.strided.scatter [tilespmem:s3], [sflag:$0x1], $0x8000, s26, s25, $0x38;
	[tilespmem:$0x8000] =	vst v63  }
0xc9: {  	s29 =	smov.u32 s30  }
0xca: {  	[hbm4b:s29+s25] =	stream.strided.scatter [tilespmem:s3], [sflag:$0x1], $0x8000, s26, s25, $0x38;
	[tilespmem:$0x8000] =	vst v63  }
0xcb: {  	_ = 	snop  }
0xcc: {  	[hbm4b:s9+s25] =	stream.strided.scatter [tilespmem:s3], [sflag:$0x1], $0x8000, s26, s25, $0x38;
	[tilespmem:$0x8000] =	vst v63  }
0xcd: {  	s30 =	smov.u32 s31  }
0xce: {  	[hbm4b:s30+s25] =	stream.strided.scatter [tilespmem:s3], [sflag:$0x1], $0x8000, s26, s25, $0x38;
	[tilespmem:$0x8000] =	vst v63  }
0xcf: {  	_ = 	snop  }
0xd0: {  	[hbm4b:s5+s25] =	stream.strided.scatter [tilespmem:s3], [sflag:$0x1], $0x8000, s26, s25, $0x38;
	[tilespmem:$0x8000] =	vst v63  }
0xd1: {  	_ = 	snop  }
0xd2: {  	[hbm4b:s6+s25] =	stream.strided.scatter [tilespmem:s3], [sflag:$0x1], $0x8000, s26, s25, $0x38;
	[tilespmem:$0x8000] =	vst v63  }
0xd3: {  	_ = 	snop  }
0xd4: {  	[hbm4b:s24+s25] =	stream.strided.scatter [tilespmem:s3], [sflag:$0x1], $0x8000, s26, s25, $0x38;
	[tilespmem:$0x8000] =	vst v63  }
0xd5: {  	_ = 	snop  }
0xd6: {  	[hbm4b:s4+s25] =	stream.strided.scatter [tilespmem:s3], [sflag:$0x1], $0x8000, s26, s25, $0x38;
	[tilespmem:$0x8000] =	vst v63  }
0xd7: {  	_ = 	snop  }
0xd8: {  	[hbm4b:s7+s25] =	stream.strided.scatter [tilespmem:s3], [sflag:$0x1], $0x8000, s26, s25, $0x38;
	[tilespmem:$0x8000] =	vst v63  }
0xd9: {  	_ = 	snop  }
0xda: {  	[hbm4b:s8+s25] =	stream.strided.scatter [tilespmem:s3], [sflag:$0x1], $0x8000, s26, s25, $0x38;
	[tilespmem:$0x8000] =	vst v63  }
0xdb: {  	_ = 	snop  }
0xdc: {  	[hbm4b:s10+s25] =	stream.strided.scatter [tilespmem:s3], [sflag:$0x1], $0x8000, s26, s25, $0x38;
	[tilespmem:$0x8000] =	vst v63  }
0xdd: {  	_ = 	snop  }
0xde: {  	[hbm4b:s11+s25] =	stream.strided.scatter [tilespmem:s3], [sflag:$0x1], $0x8000, s26, s25, $0x38;
	[tilespmem:$0x8000] =	vst v63  }
0xdf: {  	_ = 	snop  }
0xe0: {  	[hbm4b:s15+s25] =	stream.strided.scatter [tilespmem:s3], [sflag:$0x1], $0x8000, s26, s25, $0x38;
	[tilespmem:$0x8000] =	vst v63  }
0xe1: {  	_ = 	snop  }
0xe2: {  	[hbm4b:s16+s25] =	stream.strided.scatter [tilespmem:s3], [sflag:$0x1], $0x8000, s26, s25, $0x38;
	[tilespmem:$0x8000] =	vst v63  }
0xe3: {  	_ = 	snop  }
0xe4: {  	[hbm4b:s17+s25] =	stream.strided.scatter [tilespmem:s3], [sflag:$0x1], $0x8000, s26, s25, $0x38;
	[tilespmem:$0x8000] =	vst v63  }
0xe5: {  	_ = 	snop  }
0xe6: {  	[hbm4b:s18+s25] =	stream.strided.scatter [tilespmem:s3], [sflag:$0x1], $0x8000, s26, s25, $0x38;
	[tilespmem:$0x8000] =	vst v63  }
0xe7: {  	_ = 	snop  }
0xe8: {  	[hbm4b:s19+s25] =	stream.strided.scatter [tilespmem:s3], [sflag:$0x1], $0x8000, s26, s25, $0x38;
	[tilespmem:$0x8000] =	vst v63  }
0xe9: {  	_ = 	snop  }
0xea: {  	[hbm4b:s20+s25] =	stream.strided.scatter [tilespmem:s3], [sflag:$0x1], $0x8000, s26, s25, $0x38;
	[tilespmem:$0x8000] =	vst v63  }
0xeb: {  	_ = 	snop  }
0xec: {  	[hbm4b:s21+s25] =	stream.strided.scatter [tilespmem:s3], [sflag:$0x1], $0x8000, s26, s25, $0x38;
	[tilespmem:$0x8000] =	vst v63  }
0xed: {  	_ = 	snop  }
0xee: {  	[hbm4b:s22+s25] =	stream.strided.scatter [tilespmem:s3], [sflag:$0x1], $0x8000, s26, s25, $0x38;
	[tilespmem:$0x8000] =	vst v63  }
0xef: {  	_ = 	snop  }
0xf0: {  	[hbm4b:s23+s25] =	stream.strided.scatter [tilespmem:s3], [sflag:$0x1], $0x8000, s26, s25, $0x38;
	[tilespmem:$0x8000] =	vst v63  }
0xf1: {  	_ =	swait.ge [sflag:s2], $0x8000  }
0xf2: {  	[sflag:s2] =	ssyncset.done $0x0  }
0xf3: {  	[sflag:s2] =	ssyncadd.s32 $0xFFFF8000  }
0xf4: {  	_ =	swait.ge [sflag:s2], $0x8000  }
0xf5: {  	[sflag:s2] =	ssyncset.done $0x0  }
0xf6: {  	[sflag:s2] =	ssyncadd.s32 $0xFFFF8000  }
0xf7: {  	_ =	swait.ge [sflag:s2], $0x8000  }
0xf8: {  	[sflag:s2] =	ssyncset.done $0x0  }
0xf9: {  	[sflag:s2] =	ssyncadd.s32 $0xFFFF8000  }
0xfa: {  	_ =	swait.ge [sflag:s2], $0x8000  }
0xfb: {  	[sflag:s2] =	ssyncset.done $0x0  }
0xfc: {  	[sflag:s2] =	ssyncadd.s32 $0xFFFF8000  }
0xfd: {  	_ =	swait.ge [sflag:s2], $0x8000  }
0xfe: {  	[sflag:s2] =	ssyncset.done $0x0  }
0xff: {  	[sflag:s2] =	ssyncadd.s32 $0xFFFF8000  }
0x100: {  	_ =	swait.ge [sflag:s2], $0x8000  }
0x101: {  	[sflag:s2] =	ssyncset.done $0x0  }
0x102: {  	[sflag:s2] =	ssyncadd.s32 $0xFFFF8000  }
0x103: {  	_ =	swait.ge [sflag:s2], $0x8000  }
0x104: {  	[sflag:s2] =	ssyncset.done $0x0  }
0x105: {  	[sflag:s2] =	ssyncadd.s32 $0xFFFF8000  }
0x106: {  	_ =	swait.ge [sflag:s2], $0x8000  }
0x107: {  	[sflag:s2] =	ssyncset.done $0x0  }
0x108: {  	[sflag:s2] =	ssyncadd.s32 $0xFFFF8000  }
0x109: {  	_ =	swait.ge [sflag:s2], $0x8000  }
0x10a: {  	[sflag:s2] =	ssyncset.done $0x0  }
0x10b: {  	[sflag:s2] =	ssyncadd.s32 $0xFFFF8000  }
0x10c: {  	_ =	swait.ge [sflag:s2], $0x8000  }
0x10d: {  	[sflag:s2] =	ssyncset.done $0x0  }
0x10e: {  	[sflag:s2] =	ssyncadd.s32 $0xFFFF8000  }
0x10f: {  	_ =	swait.ge [sflag:s2], $0x8000  }
0x110: {  	[sflag:s2] =	ssyncset.done $0x0  }
0x111: {  	[sflag:s2] =	ssyncadd.s32 $0xFFFF8000  }
0x112: {  	_ =	swait.ge [sflag:s2], $0x8000  }
0x113: {  	[sflag:s2] =	ssyncset.done $0x0  }
0x114: {  	[sflag:s2] =	ssyncadd.s32 $0xFFFF8000  }
0x115: {  	_ =	swait.ge [sflag:s2], $0x8000  }
0x116: {  	[sflag:s2] =	ssyncset.done $0x0  }
0x117: {  	[sflag:s2] =	ssyncadd.s32 $0xFFFF8000  }
0x118: {  	_ =	swait.ge [sflag:s2], $0x8000  }
0x119: {  	[sflag:s2] =	ssyncset.done $0x0  }
0x11a: {  	[sflag:s2] =	ssyncadd.s32 $0xFFFF8000  }
0x11b: {  	_ =	swait.ge [sflag:s2], $0x8000  }
0x11c: {  	[sflag:s2] =	ssyncset.done $0x0  }
0x11d: {  	[sflag:s2] =	ssyncadd.s32 $0xFFFF8000  }
0x11e: {  	_ =	swait.ge [sflag:s2], $0x8000  }
0x11f: {  	[sflag:s2] =	ssyncset.done $0x0  }
0x120: {  	[sflag:s2] =	ssyncadd.s32 $0xFFFF8000  }
0x121: {  	_ =	swait.ge [sflag:s2], $0x8000  }
0x122: {  	[sflag:s2] =	ssyncset.done $0x0  }
0x123: {  	[sflag:s2] =	ssyncadd.s32 $0xFFFF8000  }
0x124: {  	_ =	swait.ge [sflag:s2], $0x8000  }
0x125: {  	[sflag:s2] =	ssyncset.done $0x0  }
0x126: {  	[sflag:s2] =	ssyncadd.s32 $0xFFFF8000  }
0x127: {  	_ =	swait.ge [sflag:s2], $0x8000  }
0x128: {  	[sflag:s2] =	ssyncset.done $0x0  }
0x129: {  	[sflag:s2] =	ssyncadd.s32 $0xFFFF8000  }
0x12a: {  	_ =	swait.ge [sflag:s2], $0x8000  }
0x12b: {  	[sflag:s2] =	ssyncset.done $0x0  }
0x12c: {  	[sflag:s2] =	ssyncadd.s32 $0xFFFF8000  }
0x12d: {  	_ =	swait.ge [sflag:s2], $0x8000  }
0x12e: {  	[sflag:s2] =	ssyncset.done $0x0  }
0x12f: {  	[sflag:s2] =	ssyncadd.s32 $0xFFFF8000  }
0x130: {  	_ =	swait.ge [sflag:s2], $0x8000  }
0x131: {  	[sflag:s2] =	ssyncset.done $0x0  }
0x132: {  	[sflag:s2] =	ssyncadd.s32 $0xFFFF8000  }
0x133: {  	_ =	swait.ge [sflag:s2], $0x8000  }
0x134: {  	[sflag:s2] =	ssyncset.done $0x0  }
0x135: {  	[sflag:s2] =	ssyncadd.s32 $0xFFFF8000  }
0x136: {  	_ =	swait.ge [sflag:s2], $0x8000  }
0x137: {  	[sflag:s2] =	ssyncset.done $0x0  }
0x138: {  	[sflag:s2] =	ssyncadd.s32 $0xFFFF8000  }
0x139: {  	_ =	swait.ge [sflag:s2], $0x8000  }
0x13a: {  	[sflag:s2] =	ssyncset.done $0x0  }
0x13b: {  	[sflag:s2] =	ssyncadd.s32 $0xFFFF8000  }
0x13c: {  	_ =	swait.ge [sflag:s2], $0x8000  }
0x13d: {  	[sflag:s2] =	ssyncset.done $0x0  }
0x13e: {  	p1 =	sne.s32 s1, $0x1;
	[sflag:s2] =	ssyncadd.s32 $0xFFFF8000  }
.Ltmp2:
0x13f: {  	_ =	swait.ge [sflag:s2], $0x8000;
	(pc) =	sbr.rel @p1 .LBB2_2-.Ltmp2, $4  }
0x140: {  	[sflag:s2] =	ssyncset.done $0x0  }
0x141: {  	[sflag:s2] =	ssyncadd.s32 $0xFFFF8000  }
0x142: {  	s1 =	sadd.s32 $0xFFFFFFFF, s1;
	_ =	swait.ge [sflag:s2], $0x8000  }
0x143: {  	s31 =	simm.s32 $0x2;
	s0 =	rddreg [dreg:$0x3];
	[sflag:s2] =	ssyncset.done $0x0  }
.LBB2_3:
0x144: {  	[sflag:s2] =	ssyncadd.s32 @p0 $0xFFFF8000  }
0x145: {  	[tilespmem:s3], [sflag:$0x2] =	stream.linear.gather [hbm4b:s0+s3], $0x8000, $0x38;
	[tilespmem:$0x8000] =	vst v63  }
0x146: {  	_ =	swait.ge [sflag:s31], $0x8000  }
0x147: {  	[sflag:s31] =	ssyncset.done $0x0  }
0x148: {  	s0 =	rddreg [dreg:$0x4];
	[sflag:s31] =	ssyncadd.s32 $0xFFFF8000  }
0x149: {  	[hbm4b:s0+s25] =	stream.strided.scatter [tilespmem:s3], [sflag:$0x1], $0x8000, s26, s25, $0x38;
	[tilespmem:$0x8000] =	vst v63  }
0x14a: {  	s1 =	rddreg [dreg:$0x5]  }
0x14b: {  	[hbm4b:s1+s25] =	stream.strided.scatter [tilespmem:s3], [sflag:$0x1], $0x8000, s26, s25, $0x38;
	[tilespmem:$0x8000] =	vst v63  }
0x14c: {  	s0 =	rddreg [dreg:$0x6]  }
0x14d: {  	[hbm4b:s0+s25] =	stream.strided.scatter [tilespmem:s3], [sflag:$0x1], $0x8000, s26, s25, $0x38;
	[tilespmem:$0x8000] =	vst v63  }
0x14e: {  	s31 =	rddreg [dreg:$0x7]  }
0x14f: {  	[hbm4b:s31+s25] =	stream.strided.scatter [tilespmem:s3], [sflag:$0x1], $0x8000, s26, s25, $0x38;
	[tilespmem:$0x8000] =	vst v63  }
0x150: {  	_ = 	snop  }
0x151: {  	[hbm4b:s28+s25] =	stream.strided.scatter [tilespmem:s3], [sflag:$0x1], $0x8000, s26, s25, $0x38;
	[tilespmem:$0x8000] =	vst v63  }
0x152: {  	_ = 	snop  }
0x153: {  	[hbm4b:s12+s25] =	stream.strided.scatter [tilespmem:s3], [sflag:$0x1], $0x8000, s26, s25, $0x38;
	[tilespmem:$0x8000] =	vst v63  }
0x154: {  	_ = 	snop  }
0x155: {  	[hbm4b:s13+s25] =	stream.strided.scatter [tilespmem:s3], [sflag:$0x1], $0x8000, s26, s25, $0x38;
	[tilespmem:$0x8000] =	vst v63  }
0x156: {  	_ = 	snop  }
0x157: {  	[hbm4b:s14+s25] =	stream.strided.scatter [tilespmem:s3], [sflag:$0x1], $0x8000, s26, s25, $0x38;
	[tilespmem:$0x8000] =	vst v63  }
0x158: {  	_ = 	snop  }
0x159: {  	[hbm4b:s29+s25] =	stream.strided.scatter [tilespmem:s3], [sflag:$0x1], $0x8000, s26, s25, $0x38;
	[tilespmem:$0x8000] =	vst v63  }
0x15a: {  	_ = 	snop  }
0x15b: {  	[hbm4b:s9+s25] =	stream.strided.scatter [tilespmem:s3], [sflag:$0x1], $0x8000, s26, s25, $0x38;
	[tilespmem:$0x8000] =	vst v63  }
0x15c: {  	_ = 	snop  }
0x15d: {  	[hbm4b:s30+s25] =	stream.strided.scatter [tilespmem:s3], [sflag:$0x1], $0x8000, s26, s25, $0x38;
	[tilespmem:$0x8000] =	vst v63  }
0x15e: {  	_ = 	snop  }
0x15f: {  	[hbm4b:s5+s25] =	stream.strided.scatter [tilespmem:s3], [sflag:$0x1], $0x8000, s26, s25, $0x38;
	[tilespmem:$0x8000] =	vst v63  }
0x160: {  	_ = 	snop  }
0x161: {  	[hbm4b:s6+s25] =	stream.strided.scatter [tilespmem:s3], [sflag:$0x1], $0x8000, s26, s25, $0x38;
	[tilespmem:$0x8000] =	vst v63  }
0x162: {  	_ = 	snop  }
0x163: {  	[hbm4b:s24+s25] =	stream.strided.scatter [tilespmem:s3], [sflag:$0x1], $0x8000, s26, s25, $0x38;
	[tilespmem:$0x8000] =	vst v63  }
0x164: {  	_ = 	snop  }
0x165: {  	[hbm4b:s4+s25] =	stream.strided.scatter [tilespmem:s3], [sflag:$0x1], $0x8000, s26, s25, $0x38;
	[tilespmem:$0x8000] =	vst v63  }
0x166: {  	_ = 	snop  }
0x167: {  	[hbm4b:s7+s25] =	stream.strided.scatter [tilespmem:s3], [sflag:$0x1], $0x8000, s26, s25, $0x38;
	[tilespmem:$0x8000] =	vst v63  }
0x168: {  	_ = 	snop  }
0x169: {  	[hbm4b:s8+s25] =	stream.strided.scatter [tilespmem:s3], [sflag:$0x1], $0x8000, s26, s25, $0x38;
	[tilespmem:$0x8000] =	vst v63  }
0x16a: {  	_ = 	snop  }
0x16b: {  	[hbm4b:s10+s25] =	stream.strided.scatter [tilespmem:s3], [sflag:$0x1], $0x8000, s26, s25, $0x38;
	[tilespmem:$0x8000] =	vst v63  }
0x16c: {  	_ = 	snop  }
0x16d: {  	[hbm4b:s11+s25] =	stream.strided.scatter [tilespmem:s3], [sflag:$0x1], $0x8000, s26, s25, $0x38;
	[tilespmem:$0x8000] =	vst v63  }
0x16e: {  	_ = 	snop  }
0x16f: {  	[hbm4b:s15+s25] =	stream.strided.scatter [tilespmem:s3], [sflag:$0x1], $0x8000, s26, s25, $0x38;
	[tilespmem:$0x8000] =	vst v63  }
0x170: {  	_ = 	snop  }
0x171: {  	[hbm4b:s16+s25] =	stream.strided.scatter [tilespmem:s3], [sflag:$0x1], $0x8000, s26, s25, $0x38;
	[tilespmem:$0x8000] =	vst v63  }
0x172: {  	_ = 	snop  }
0x173: {  	[hbm4b:s17+s25] =	stream.strided.scatter [tilespmem:s3], [sflag:$0x1], $0x8000, s26, s25, $0x38;
	[tilespmem:$0x8000] =	vst v63  }
0x174: {  	_ = 	snop  }
0x175: {  	[hbm4b:s18+s25] =	stream.strided.scatter [tilespmem:s3], [sflag:$0x1], $0x8000, s26, s25, $0x38;
	[tilespmem:$0x8000] =	vst v63  }
0x176: {  	_ = 	snop  }
0x177: {  	[hbm4b:s19+s25] =	stream.strided.scatter [tilespmem:s3], [sflag:$0x1], $0x8000, s26, s25, $0x38;
	[tilespmem:$0x8000] =	vst v63  }
0x178: {  	_ = 	snop  }
0x179: {  	[hbm4b:s20+s25] =	stream.strided.scatter [tilespmem:s3], [sflag:$0x1], $0x8000, s26, s25, $0x38;
	[tilespmem:$0x8000] =	vst v63  }
0x17a: {  	_ = 	snop  }
0x17b: {  	[hbm4b:s21+s25] =	stream.strided.scatter [tilespmem:s3], [sflag:$0x1], $0x8000, s26, s25, $0x38;
	[tilespmem:$0x8000] =	vst v63  }
0x17c: {  	_ = 	snop  }
0x17d: {  	[hbm4b:s22+s25] =	stream.strided.scatter [tilespmem:s3], [sflag:$0x1], $0x8000, s26, s25, $0x38;
	[tilespmem:$0x8000] =	vst v63  }
0x17e: {  	_ = 	snop  }
0x17f: {  	[hbm4b:s23+s25] =	stream.strided.scatter [tilespmem:s3], [sflag:$0x1], $0x8000, s26, s25, $0x38;
	[tilespmem:$0x8000] =	vst v63  }
0x180: {  	_ =	swait.ge [sflag:s2], $0x8000  }
0x181: {  	[sflag:s2] =	ssyncset.done $0x0  }
0x182: {  	[sflag:s2] =	ssyncadd.s32 $0xFFFF8000  }
0x183: {  	_ =	swait.ge [sflag:s2], $0x8000  }
0x184: {  	[sflag:s2] =	ssyncset.done $0x0  }
0x185: {  	[sflag:s2] =	ssyncadd.s32 $0xFFFF8000  }
0x186: {  	_ =	swait.ge [sflag:s2], $0x8000  }
0x187: {  	[sflag:s2] =	ssyncset.done $0x0  }
0x188: {  	[sflag:s2] =	ssyncadd.s32 $0xFFFF8000  }
0x189: {  	_ =	swait.ge [sflag:s2], $0x8000  }
0x18a: {  	[sflag:s2] =	ssyncset.done $0x0  }
0x18b: {  	[sflag:s2] =	ssyncadd.s32 $0xFFFF8000  }
0x18c: {  	_ =	swait.ge [sflag:s2], $0x8000  }
0x18d: {  	[sflag:s2] =	ssyncset.done $0x0  }
0x18e: {  	[sflag:s2] =	ssyncadd.s32 $0xFFFF8000  }
0x18f: {  	_ =	swait.ge [sflag:s2], $0x8000  }
0x190: {  	[sflag:s2] =	ssyncset.done $0x0  }
0x191: {  	[sflag:s2] =	ssyncadd.s32 $0xFFFF8000  }
0x192: {  	_ =	swait.ge [sflag:s2], $0x8000  }
0x193: {  	[sflag:s2] =	ssyncset.done $0x0  }
0x194: {  	[sflag:s2] =	ssyncadd.s32 $0xFFFF8000  }
0x195: {  	_ =	swait.ge [sflag:s2], $0x8000  }
0x196: {  	[sflag:s2] =	ssyncset.done $0x0  }
0x197: {  	[sflag:s2] =	ssyncadd.s32 $0xFFFF8000  }
0x198: {  	_ =	swait.ge [sflag:s2], $0x8000  }
0x199: {  	[sflag:s2] =	ssyncset.done $0x0  }
0x19a: {  	[sflag:s2] =	ssyncadd.s32 $0xFFFF8000  }
0x19b: {  	_ =	swait.ge [sflag:s2], $0x8000  }
0x19c: {  	[sflag:s2] =	ssyncset.done $0x0  }
0x19d: {  	[sflag:s2] =	ssyncadd.s32 $0xFFFF8000  }
0x19e: {  	_ =	swait.ge [sflag:s2], $0x8000  }
0x19f: {  	[sflag:s2] =	ssyncset.done $0x0  }
0x1a0: {  	[sflag:s2] =	ssyncadd.s32 $0xFFFF8000  }
0x1a1: {  	_ =	swait.ge [sflag:s2], $0x8000  }
0x1a2: {  	[sflag:s2] =	ssyncset.done $0x0  }
0x1a3: {  	[sflag:s2] =	ssyncadd.s32 $0xFFFF8000  }
0x1a4: {  	_ =	swait.ge [sflag:s2], $0x8000  }
0x1a5: {  	[sflag:s2] =	ssyncset.done $0x0  }
0x1a6: {  	[sflag:s2] =	ssyncadd.s32 $0xFFFF8000  }
0x1a7: {  	_ =	swait.ge [sflag:s2], $0x8000  }
0x1a8: {  	[sflag:s2] =	ssyncset.done $0x0  }
0x1a9: {  	[sflag:s2] =	ssyncadd.s32 $0xFFFF8000  }
0x1aa: {  	_ =	swait.ge [sflag:s2], $0x8000  }
0x1ab: {  	[sflag:s2] =	ssyncset.done $0x0  }
0x1ac: {  	[sflag:s2] =	ssyncadd.s32 $0xFFFF8000  }
0x1ad: {  	_ =	swait.ge [sflag:s2], $0x8000  }
0x1ae: {  	[sflag:s2] =	ssyncset.done $0x0  }
0x1af: {  	[sflag:s2] =	ssyncadd.s32 $0xFFFF8000  }
0x1b0: {  	_ =	swait.ge [sflag:s2], $0x8000  }
0x1b1: {  	[sflag:s2] =	ssyncset.done $0x0  }
0x1b2: {  	[sflag:s2] =	ssyncadd.s32 $0xFFFF8000  }
0x1b3: {  	_ =	swait.ge [sflag:s2], $0x8000  }
0x1b4: {  	[sflag:s2] =	ssyncset.done $0x0  }
0x1b5: {  	[sflag:s2] =	ssyncadd.s32 $0xFFFF8000  }
0x1b6: {  	_ =	swait.ge [sflag:s2], $0x8000  }
0x1b7: {  	[sflag:s2] =	ssyncset.done $0x0  }
0x1b8: {  	[sflag:s2] =	ssyncadd.s32 $0xFFFF8000  }
0x1b9: {  	_ =	swait.ge [sflag:s2], $0x8000  }
0x1ba: {  	[sflag:s2] =	ssyncset.done $0x0  }
0x1bb: {  	[sflag:s2] =	ssyncadd.s32 $0xFFFF8000  }
0x1bc: {  	_ =	swait.ge [sflag:s2], $0x8000  }
0x1bd: {  	[sflag:s2] =	ssyncset.done $0x0  }
0x1be: {  	[sflag:s2] =	ssyncadd.s32 $0xFFFF8000  }
0x1bf: {  	_ =	swait.ge [sflag:s2], $0x8000  }
0x1c0: {  	[sflag:s2] =	ssyncset.done $0x0  }
0x1c1: {  	[sflag:s2] =	ssyncadd.s32 $0xFFFF8000  }
0x1c2: {  	_ =	swait.ge [sflag:s2], $0x8000  }
0x1c3: {  	[sflag:s2] =	ssyncset.done $0x0  }
0x1c4: {  	[sflag:s2] =	ssyncadd.s32 $0xFFFF8000  }
0x1c5: {  	_ =	swait.ge [sflag:s2], $0x8000  }
0x1c6: {  	[sflag:s2] =	ssyncset.done $0x0  }
0x1c7: {  	[sflag:s2] =	ssyncadd.s32 $0xFFFF8000  }
0x1c8: {  	_ =	swait.ge [sflag:s2], $0x8000  }
0x1c9: {  	[sflag:s2] =	ssyncset.done $0x0  }
0x1ca: {  	[sflag:s2] =	ssyncadd.s32 $0xFFFF8000  }
0x1cb: {  	_ =	swait.ge [sflag:s2], $0x8000  }
0x1cc: {  	[sflag:s2] =	ssyncset.done $0x0  }
0x1cd: {  	[sflag:s2] =	ssyncadd.s32 $0xFFFF8000  }
0x1ce: {  	_ =	swait.ge [sflag:s2], $0x8000  }
0x1cf: {  	[sflag:s2] =	ssyncset.done $0x0  }
0x1d0: {  	[sflag:s2] =	ssyncadd.s32 $0xFFFF8000  }
0x1d1: {  	_ =	swait.ge [sflag:s2], $0x8000  }
0x1d2: {  	[sflag:s2] =	ssyncset.done $0x0  }
0x1d3: {  	[sflag:s2] =	ssyncadd.s32 $0xFFFF8000  }
0x1d4: {  	_ =	sfence.sel $0x180000  }
0x1d5: {  	[bflag:$0x0] =	sbarrier.arrive $0xFFFF  }
0x1d6: {  	_ =	strace $0x90000047  }
0x1d7: {  	s31 =	stileid.u32;
	[bflag:$0x2] =	sbarrier.arrive $0xFFFF  }
0x1d8: {  	p0 =	sne.s32 s31, $0x0;
	s0 =	rddreg [dreg:$0x2]  }
0x1d9: {  	s0 =	sadd.s32 @!p0 $0x100000, s0  }
0x1da: {  	[sflag:s0] =	ssyncadd.tile.s32 @!p0 $0x1;
	_ =	shalt  }
.Lfunc_end2:
_tile_overlayer_lowered:
.L_overlay_start_2:
0x1db: {  	(tag) =	ssettag $0x2  }
0x1dc: {  	s0 =	rddreg [dreg:$0x0];
	s2 =	stileid.u32  }
0x1dd: {  	s1 =	rddreg [dreg:$0x1];
	p0 =	sne.s32 s2, $0x0  }
0x1de: {  	s3 =	rddreg [dreg:$0x2];
	[bflag:$0x3] =	sbarrier.arrive $0xFFFF;
	s2 =	simm.s32 @!p0 $0x1C02  }
0x1df: {  	[timem:s3], [sflag:s2] =	dma.local @!p0 [hbm:s0], s1  }
0x1e0: {  	s0 =	simm.s32 @!p0 $0x2  }
0x1e1: {  	_ =	swait.ge @!p0 [sflag:s0], s1  }
0x1e2: {  	s1 =	ssub.s32 @!p0 $0x0, s1;
	[sflag:s0] =	ssyncset.done @!p0 $0x0  }
0x1e3: {  	[sflag:s0] =	ssyncadd.s32 @!p0 s1  }
0x1e4: {  	[bflag:$0x3] =	sbarrier.arrive $0xFFFF  }
0x1e5: {  	_ =	shalt  }

</sc_bundles>
